<compile_context>
chip_gen: v7x
topology: tpu7x:2x2x1
jax: 0.10.2.dev20260603
libtpu: 0.0.44.dev20260713+nightly
codegen_flags: <defaults>
</compile_context>

<pallas_src>
import functools

import jax
import jax.numpy as jnp
from jax import lax
from jax.experimental import pallas as pl
from jax.experimental.pallas import tpu as pltpu
from jax.experimental.pallas import tpu_sc as plsc

B = 4096
D = 256
M = 65536
NW = 32
SROWS = B // NW
ZROWS = (M - B) // NW
CH = 128
NZCH = ZROWS // CH


def _body(ts, ss, tb_out, sb_out, state_v, zero_v, sem):
    wid = lax.axis_index("s") * 2 + lax.axis_index("c")

    zvec = jnp.zeros((16,), jnp.float32)

    def row_fill(i, carry):
        def col_fill(j, c2):
            zero_v[i, pl.ds(j * 16, 16)] = zvec
            return c2
        return lax.fori_loop(0, D // 16, col_fill, carry)

    lax.fori_loop(0, CH, row_fill, 0)

    z0 = B + wid * ZROWS
    handles = []
    for k in range(NZCH):
        dst_t = tb_out.at[pl.ds(z0 + k * CH, CH)]
        handles.append(pltpu.make_async_copy(zero_v, dst_t, sem))
        handles[-1].start()
        dst_s = sb_out.at[pl.ds(z0 + k * CH, CH)]
        handles.append(pltpu.make_async_copy(zero_v, dst_s, sem))
        handles[-1].start()

    s0 = wid * SROWS
    pltpu.sync_copy(ts.at[pl.ds(s0, SROWS)], state_v)
    pltpu.sync_copy(state_v, tb_out.at[pl.ds(s0, SROWS)])
    pltpu.sync_copy(ss.at[pl.ds(s0, SROWS)], state_v)
    pltpu.sync_copy(state_v, sb_out.at[pl.ds(s0, SROWS)])

    for h in handles:
        h.wait()


@functools.partial(jax.jit, donate_argnums=())
def _run(ts, ss):
    sc_kernel = pl.kernel(
        _body,
        out_type=(
            jax.ShapeDtypeStruct((M, D), jnp.float32),
            jax.ShapeDtypeStruct((M, D), jnp.float32),
        ),
        mesh=plsc.VectorSubcoreMesh(core_axis_name="c", subcore_axis_name="s"),
        scratch_types=[
            pltpu.VMEM((SROWS, D), jnp.float32),
            pltpu.VMEM((CH, D), jnp.float32),
            pltpu.SemaphoreType.DMA,
        ],
    )
    return sc_kernel(ts, ss)


def kernel(tactical_state, strategic_state, tactical_buffer, strategic_buffer):
    tb, sb = _run(tactical_state, strategic_state)
    return (tb, sb)

# --- scband reference (transcript-rebuilt; emitter-appended) ---
"""Pipeline reference for scband-system-state-manager-76759655514188 (READ-ONLY COPY).

The authoritative reference and input builder live on the scoring server;
editing this copy changes nothing except your own understanding.
"""

import jax, jax.numpy as jnp
import numpy as np

B = 4096
D = 256
M = 65536

def setup_inputs(seed: int = 0) -> dict:
    key = jax.random.key(seed)
    k1, k2 = jax.random.split(key)
    return {
        "tactical_state": jax.random.normal(k1, (B, D), dtype=jnp.float32),
        "strategic_state": jax.random.normal(k2, (B, D), dtype=jnp.float32),
        "tactical_buffer": jnp.zeros((M, D), dtype=jnp.float32),
        "strategic_buffer": jnp.zeros((M, D), dtype=jnp.float32),
    }

def reference(tactical_state, strategic_state, tactical_buffer, strategic_buffer):
    # Faithful translation of SystemStateManager.update_buffers with buffer_index=0.
    # The torch loop writes row (current_idx + i) % buffer_size = detach(state[i]);
    # this is a scatter-overwrite, expressed as .at[idx].set with stop_gradient
    # mirroring .detach(). Returns the updated buffers (the module's persistent state).
    buffer_size = tactical_buffer.shape[0]
    batch_size = tactical_state.shape[0]
    current_idx = 0
    idx = (current_idx + jnp.arange(batch_size)) % buffer_size
    tb = tactical_buffer.at[idx].set(jax.lax.stop_gradient(tactical_state))
    sb = strategic_buffer.at[idx].set(jax.lax.stop_gradient(strategic_state))
    return (tb, sb)

if __name__ == "__main__":
    import jax
    _d = setup_inputs()
    print(jax.jit(kernel)(*tuple(_d.values())))

</pallas_src>

<mosaic_0001>
#map = affine_map<(d0, d1) -> (0, 0)>
module attributes {stable_mosaic.version = 14 : i64} {
  func.func @_body(%arg0: i32, %arg1: i32, %arg2: memref<4096x256xf32, #tpu.memory_space<hbm>>, %arg3: memref<4096x256xf32, #tpu.memory_space<hbm>>, %arg4: memref<65536x256xf32, #tpu.memory_space<hbm>>, %arg5: memref<65536x256xf32, #tpu.memory_space<hbm>>, %arg6: memref<128x256xf32, #tpu.memory_space<vmem>>, %arg7: memref<128x256xf32, #tpu.memory_space<vmem>>, %arg8: memref<!tpu.dma_semaphore, #tpu.memory_space<semaphore_mem>>) attributes {dimension_semantics = [#tpu.dimension_semantics<core_parallel>, #tpu.dimension_semantics<subcore_parallel>], iteration_bounds = array<i64: 2, 16>, scalar_prefetch = 0 : i64, scratch_operands = 3 : i64, tpu.core_type = #tpu.core_type<sc_vector_subcore>, window_params = [{transform_indices = #map}, {transform_indices = #map}, {transform_indices = #map}, {transform_indices = #map}]} {
    %mul3A = arith.constant 2 : i32
    %mul3A_0 = arith.muli %arg1, %mul3A : i32
    %add3A = arith.addi %mul3A_0, %arg0 : i32
    %broadcast_in_dim3A = arith.constant 0.000000e+00 : f32
    %broadcast_in_dim3A_1 = vector.broadcast %broadcast_in_dim3A : f32 to vector<16xf32>
    %scan3A = arith.constant 0 : i32
    %scan3A_2 = arith.constant 0 : i32
    %scan3A_3 = arith.constant 128 : i32
    %scan3A_4 = arith.addi %scan3A_2, %scan3A_3 : i32
    %scan3A_5 = arith.constant 1 : i32
    scf.for %scan3A_311 = %scan3A_2 to %scan3A_4 step %scan3A_5  : i32 {
      %scan3A_312 = arith.constant 0 : i32
      %scan3A_313 = arith.constant 16 : i32
      %scan3A_314 = arith.addi %scan3A_312, %scan3A_313 : i32
      %scan3A_315 = arith.constant 1 : i32
      scf.for %scan3A_317 = %scan3A_312 to %scan3A_314 step %scan3A_315  : i32 {
        %mul3A_318 = arith.constant 16 : i32
        %mul3A_319 = arith.muli %scan3A_317, %mul3A_318 : i32
        %swap3A = arith.index_cast %scan3A_311 : i32 to index
        %swap3A_320 = arith.index_cast %mul3A_319 : i32 to index
        %swap3A_321 = tpu.vector_load %arg7[%swap3A, %swap3A_320] {strides = array<i32>} : memref<128x256xf32, #tpu.memory_space<vmem>>, vector<1x16xf32>,
        %swap3A_322 = vector.shape_cast %swap3A_321 : vector<1x16xf32> to vector<16xf32>
        %swap3A_323 = vector.shape_cast %broadcast_in_dim3A_1 : vector<16xf32> to vector<1x16xf32>
        tpu.vector_store %arg7[%swap3A, %swap3A_320], %swap3A_323 {strides = array<i32>} : memref<128x256xf32, #tpu.memory_space<vmem>>, vector<1x16xf32>,
      }
      %scan3A_316 = arith.constant 16 : i32
    }
    %scan3A_6 = arith.constant 128 : i32
    %mul3A_7 = arith.constant 1920 : i32
    %mul3A_8 = arith.muli %add3A, %mul3A_7 : i32
    %add3A_9 = arith.constant 4096 : i32
    %add3A_10 = arith.addi %add3A_9, %mul3A_8 : i32
    %add3A_11 = arith.constant 0 : i32
    %add3A_12 = arith.addi %add3A_10, %add3A_11 : i32
    %dma_start3A = arith.constant 0 : i32
    %dma_start3A_13 = tpu.memref_slice %arg4[%add3A_12, %dma_start3A] : memref<65536x256xf32, #tpu.memory_space<hbm>> -> memref<128x256xf32, #tpu.memory_space<hbm>>
    %dma_start3A_14 = arith.constant 0 : i32
    %dma_start3A_15 = tpu.memref_slice %arg4[%add3A_12, %dma_start3A_14] : memref<65536x256xf32, #tpu.memory_space<hbm>> -> memref<128x256xf32, #tpu.memory_space<hbm>>
    tpu.enqueue_dma source(%arg7 : memref<128x256xf32, #tpu.memory_space<vmem>>) target(%dma_start3A_15 : memref<128x256xf32, #tpu.memory_space<hbm>>) target_semaphore(%arg8 : memref<!tpu.dma_semaphore, #tpu.memory_space<semaphore_mem>>)
    %add3A_16 = arith.constant 0 : i32
    %add3A_17 = arith.addi %add3A_10, %add3A_16 : i32
    %dma_start3A_18 = arith.constant 0 : i32
    %dma_start3A_19 = tpu.memref_slice %arg5[%add3A_17, %dma_start3A_18] : memref<65536x256xf32, #tpu.memory_space<hbm>> -> memref<128x256xf32, #tpu.memory_space<hbm>>
    %dma_start3A_20 = arith.constant 0 : i32
    %dma_start3A_21 = tpu.memref_slice %arg5[%add3A_17, %dma_start3A_20] : memref<65536x256xf32, #tpu.memory_space<hbm>> -> memref<128x256xf32, #tpu.memory_space<hbm>>
    tpu.enqueue_dma source(%arg7 : memref<128x256xf32, #tpu.memory_space<vmem>>) target(%dma_start3A_21 : memref<128x256xf32, #tpu.memory_space<hbm>>) target_semaphore(%arg8 : memref<!tpu.dma_semaphore, #tpu.memory_space<semaphore_mem>>)
    %add3A_22 = arith.constant 128 : i32
    %add3A_23 = arith.addi %add3A_10, %add3A_22 : i32
    %dma_start3A_24 = arith.constant 0 : i32
    %dma_start3A_25 = tpu.memref_slice %arg4[%add3A_23, %dma_start3A_24] : memref<65536x256xf32, #tpu.memory_space<hbm>> -> memref<128x256xf32, #tpu.memory_space<hbm>>
    %dma_start3A_26 = arith.constant 0 : i32
    %dma_start3A_27 = tpu.memref_slice %arg4[%add3A_23, %dma_start3A_26] : memref<65536x256xf32, #tpu.memory_space<hbm>> -> memref<128x256xf32, #tpu.memory_space<hbm>>
    tpu.enqueue_dma source(%arg7 : memref<128x256xf32, #tpu.memory_space<vmem>>) target(%dma_start3A_27 : memref<128x256xf32, #tpu.memory_space<hbm>>) target_semaphore(%arg8 : memref<!tpu.dma_semaphore, #tpu.memory_space<semaphore_mem>>)
    %add3A_28 = arith.constant 128 : i32
    %add3A_29 = arith.addi %add3A_10, %add3A_28 : i32
    %dma_start3A_30 = arith.constant 0 : i32
    %dma_start3A_31 = tpu.memref_slice %arg5[%add3A_29, %dma_start3A_30] : memref<65536x256xf32, #tpu.memory_space<hbm>> -> memref<128x256xf32, #tpu.memory_space<hbm>>
    %dma_start3A_32 = arith.constant 0 : i32
    %dma_start3A_33 = tpu.memref_slice %arg5[%add3A_29, %dma_start3A_32] : memref<65536x256xf32, #tpu.memory_space<hbm>> -> memref<128x256xf32, #tpu.memory_space<hbm>>
    tpu.enqueue_dma source(%arg7 : memref<128x256xf32, #tpu.memory_space<vmem>>) target(%dma_start3A_33 : memref<128x256xf32, #tpu.memory_space<hbm>>) target_semaphore(%arg8 : memref<!tpu.dma_semaphore, #tpu.memory_space<semaphore_mem>>)
    %add3A_34 = arith.constant 256 : i32
    %add3A_35 = arith.addi %add3A_10, %add3A_34 : i32
    %dma_start3A_36 = arith.constant 0 : i32
    %dma_start3A_37 = tpu.memref_slice %arg4[%add3A_35, %dma_start3A_36] : memref<65536x256xf32, #tpu.memory_space<hbm>> -> memref<128x256xf32, #tpu.memory_space<hbm>>
    %dma_start3A_38 = arith.constant 0 : i32
    %dma_start3A_39 = tpu.memref_slice %arg4[%add3A_35, %dma_start3A_38] : memref<65536x256xf32, #tpu.memory_space<hbm>> -> memref<128x256xf32, #tpu.memory_space<hbm>>
    tpu.enqueue_dma source(%arg7 : memref<128x256xf32, #tpu.memory_space<vmem>>) target(%dma_start3A_39 : memref<128x256xf32, #tpu.memory_space<hbm>>) target_semaphore(%arg8 : memref<!tpu.dma_semaphore, #tpu.memory_space<semaphore_mem>>)
    %add3A_40 = arith.constant 256 : i32
    %add3A_41 = arith.addi %add3A_10, %add3A_40 : i32
    %dma_start3A_42 = arith.constant 0 : i32
    %dma_start3A_43 = tpu.memref_slice %arg5[%add3A_41, %dma_start3A_42] : memref<65536x256xf32, #tpu.memory_space<hbm>> -> memref<128x256xf32, #tpu.memory_space<hbm>>
    %dma_start3A_44 = arith.constant 0 : i32
    %dma_start3A_45 = tpu.memref_slice %arg5[%add3A_41, %dma_start3A_44] : memref<65536x256xf32, #tpu.memory_space<hbm>> -> memref<128x256xf32, #tpu.memory_space<hbm>>
    tpu.enqueue_dma source(%arg7 : memref<128x256xf32, #tpu.memory_space<vmem>>) target(%dma_start3A_45 : memref<128x256xf32, #tpu.memory_space<hbm>>) target_semaphore(%arg8 : memref<!tpu.dma_semaphore, #tpu.memory_space<semaphore_mem>>)
    %add3A_46 = arith.constant 384 : i32
    %add3A_47 = arith.addi %add3A_10, %add3A_46 : i32
    %dma_start3A_48 = arith.constant 0 : i32
    %dma_start3A_49 = tpu.memref_slice %arg4[%add3A_47, %dma_start3A_48] : memref<65536x256xf32, #tpu.memory_space<hbm>> -> memref<128x256xf32, #tpu.memory_space<hbm>>
    %dma_start3A_50 = arith.constant 0 : i32
    %dma_start3A_51 = tpu.memref_slice %arg4[%add3A_47, %dma_start3A_50] : memref<65536x256xf32, #tpu.memory_space<hbm>> -> memref<128x256xf32, #tpu.memory_space<hbm>>
    tpu.enqueue_dma source(%arg7 : memref<128x256xf32, #tpu.memory_space<vmem>>) target(%dma_start3A_51 : memref<128x256xf32, #tpu.memory_space<hbm>>) target_semaphore(%arg8 : memref<!tpu.dma_semaphore, #tpu.memory_space<semaphore_mem>>)
    %add3A_52 = arith.constant 384 : i32
    %add3A_53 = arith.addi %add3A_10, %add3A_52 : i32
    %dma_start3A_54 = arith.constant 0 : i32
    %dma_start3A_55 = tpu.memref_slice %arg5[%add3A_53, %dma_start3A_54] : memref<65536x256xf32, #tpu.memory_space<hbm>> -> memref<128x256xf32, #tpu.memory_space<hbm>>
    %dma_start3A_56 = arith.constant 0 : i32
    %dma_start3A_57 = tpu.memref_slice %arg5[%add3A_53, %dma_start3A_56] : memref<65536x256xf32, #tpu.memory_space<hbm>> -> memref<128x256xf32, #tpu.memory_space<hbm>>
    tpu.enqueue_dma source(%arg7 : memref<128x256xf32, #tpu.memory_space<vmem>>) target(%dma_start3A_57 : memref<128x256xf32, #tpu.memory_space<hbm>>) target_semaphore(%arg8 : memref<!tpu.dma_semaphore, #tpu.memory_space<semaphore_mem>>)
    %add3A_58 = arith.constant 512 : i32
    %add3A_59 = arith.addi %add3A_10, %add3A_58 : i32
    %dma_start3A_60 = arith.constant 0 : i32
    %dma_start3A_61 = tpu.memref_slice %arg4[%add3A_59, %dma_start3A_60] : memref<65536x256xf32, #tpu.memory_space<hbm>> -> memref<128x256xf32, #tpu.memory_space<hbm>>
    %dma_start3A_62 = arith.constant 0 : i32
    %dma_start3A_63 = tpu.memref_slice %arg4[%add3A_59, %dma_start3A_62] : memref<65536x256xf32, #tpu.memory_space<hbm>> -> memref<128x256xf32, #tpu.memory_space<hbm>>
    tpu.enqueue_dma source(%arg7 : memref<128x256xf32, #tpu.memory_space<vmem>>) target(%dma_start3A_63 : memref<128x256xf32, #tpu.memory_space<hbm>>) target_semaphore(%arg8 : memref<!tpu.dma_semaphore, #tpu.memory_space<semaphore_mem>>)
    %add3A_64 = arith.constant 512 : i32
    %add3A_65 = arith.addi %add3A_10, %add3A_64 : i32
    %dma_start3A_66 = arith.constant 0 : i32
    %dma_start3A_67 = tpu.memref_slice %arg5[%add3A_65, %dma_start3A_66] : memref<65536x256xf32, #tpu.memory_space<hbm>> -> memref<128x256xf32, #tpu.memory_space<hbm>>
    %dma_start3A_68 = arith.constant 0 : i32
    %dma_start3A_69 = tpu.memref_slice %arg5[%add3A_65, %dma_start3A_68] : memref<65536x256xf32, #tpu.memory_space<hbm>> -> memref<128x256xf32, #tpu.memory_space<hbm>>
    tpu.enqueue_dma source(%arg7 : memref<128x256xf32, #tpu.memory_space<vmem>>) target(%dma_start3A_69 : memref<128x256xf32, #tpu.memory_space<hbm>>) target_semaphore(%arg8 : memref<!tpu.dma_semaphore, #tpu.memory_space<semaphore_mem>>)
    %add3A_70 = arith.constant 640 : i32
    %add3A_71 = arith.addi %add3A_10, %add3A_70 : i32
    %dma_start3A_72 = arith.constant 0 : i32
    %dma_start3A_73 = tpu.memref_slice %arg4[%add3A_71, %dma_start3A_72] : memref<65536x256xf32, #tpu.memory_space<hbm>> -> memref<128x256xf32, #tpu.memory_space<hbm>>
    %dma_start3A_74 = arith.constant 0 : i32
    %dma_start3A_75 = tpu.memref_slice %arg4[%add3A_71, %dma_start3A_74] : memref<65536x256xf32, #tpu.memory_space<hbm>> -> memref<128x256xf32, #tpu.memory_space<hbm>>
    tpu.enqueue_dma source(%arg7 : memref<128x256xf32, #tpu.memory_space<vmem>>) target(%dma_start3A_75 : memref<128x256xf32, #tpu.memory_space<hbm>>) target_semaphore(%arg8 : memref<!tpu.dma_semaphore, #tpu.memory_space<semaphore_mem>>)
    %add3A_76 = arith.constant 640 : i32
    %add3A_77 = arith.addi %add3A_10, %add3A_76 : i32
    %dma_start3A_78 = arith.constant 0 : i32
    %dma_start3A_79 = tpu.memref_slice %arg5[%add3A_77, %dma_start3A_78] : memref<65536x256xf32, #tpu.memory_space<hbm>> -> memref<128x256xf32, #tpu.memory_space<hbm>>
    %dma_start3A_80 = arith.constant 0 : i32
    %dma_start3A_81 = tpu.memref_slice %arg5[%add3A_77, %dma_start3A_80] : memref<65536x256xf32, #tpu.memory_space<hbm>> -> memref<128x256xf32, #tpu.memory_space<hbm>>
    tpu.enqueue_dma source(%arg7 : memref<128x256xf32, #tpu.memory_space<vmem>>) target(%dma_start3A_81 : memref<128x256xf32, #tpu.memory_space<hbm>>) target_semaphore(%arg8 : memref<!tpu.dma_semaphore, #tpu.memory_space<semaphore_mem>>)
    %add3A_82 = arith.constant 768 : i32
    %add3A_83 = arith.addi %add3A_10, %add3A_82 : i32
    %dma_start3A_84 = arith.constant 0 : i32
    %dma_start3A_85 = tpu.memref_slice %arg4[%add3A_83, %dma_start3A_84] : memref<65536x256xf32, #tpu.memory_space<hbm>> -> memref<128x256xf32, #tpu.memory_space<hbm>>
    %dma_start3A_86 = arith.constant 0 : i32
    %dma_start3A_87 = tpu.memref_slice %arg4[%add3A_83, %dma_start3A_86] : memref<65536x256xf32, #tpu.memory_space<hbm>> -> memref<128x256xf32, #tpu.memory_space<hbm>>
    tpu.enqueue_dma source(%arg7 : memref<128x256xf32, #tpu.memory_space<vmem>>) target(%dma_start3A_87 : memref<128x256xf32, #tpu.memory_space<hbm>>) target_semaphore(%arg8 : memref<!tpu.dma_semaphore, #tpu.memory_space<semaphore_mem>>)
    %add3A_88 = arith.constant 768 : i32
    %add3A_89 = arith.addi %add3A_10, %add3A_88 : i32
    %dma_start3A_90 = arith.constant 0 : i32
    %dma_start3A_91 = tpu.memref_slice %arg5[%add3A_89, %dma_start3A_90] : memref<65536x256xf32, #tpu.memory_space<hbm>> -> memref<128x256xf32, #tpu.memory_space<hbm>>
    %dma_start3A_92 = arith.constant 0 : i32
    %dma_start3A_93 = tpu.memref_slice %arg5[%add3A_89, %dma_start3A_92] : memref<65536x256xf32, #tpu.memory_space<hbm>> -> memref<128x256xf32, #tpu.memory_space<hbm>>
    tpu.enqueue_dma source(%arg7 : memref<128x256xf32, #tpu.memory_space<vmem>>) target(%dma_start3A_93 : memref<128x256xf32, #tpu.memory_space<hbm>>) target_semaphore(%arg8 : memref<!tpu.dma_semaphore, #tpu.memory_space<semaphore_mem>>)
    %add3A_94 = arith.constant 896 : i32
    %add3A_95 = arith.addi %add3A_10, %add3A_94 : i32
    %dma_start3A_96 = arith.constant 0 : i32
    %dma_start3A_97 = tpu.memref_slice %arg4[%add3A_95, %dma_start3A_96] : memref<65536x256xf32, #tpu.memory_space<hbm>> -> memref<128x256xf32, #tpu.memory_space<hbm>>
    %dma_start3A_98 = arith.constant 0 : i32
    %dma_start3A_99 = tpu.memref_slice %arg4[%add3A_95, %dma_start3A_98] : memref<65536x256xf32, #tpu.memory_space<hbm>> -> memref<128x256xf32, #tpu.memory_space<hbm>>
    tpu.enqueue_dma source(%arg7 : memref<128x256xf32, #tpu.memory_space<vmem>>) target(%dma_start3A_99 : memref<128x256xf32, #tpu.memory_space<hbm>>) target_semaphore(%arg8 : memref<!tpu.dma_semaphore, #tpu.memory_space<semaphore_mem>>)
    %add3A_100 = arith.constant 896 : i32
    %add3A_101 = arith.addi %add3A_10, %add3A_100 : i32
    %dma_start3A_102 = arith.constant 0 : i32
    %dma_start3A_103 = tpu.memref_slice %arg5[%add3A_101, %dma_start3A_102] : memref<65536x256xf32, #tpu.memory_space<hbm>> -> memref<128x256xf32, #tpu.memory_space<hbm>>
    %dma_start3A_104 = arith.constant 0 : i32
    %dma_start3A_105 = tpu.memref_slice %arg5[%add3A_101, %dma_start3A_104] : memref<65536x256xf32, #tpu.memory_space<hbm>> -> memref<128x256xf32, #tpu.memory_space<hbm>>
    tpu.enqueue_dma source(%arg7 : memref<128x256xf32, #tpu.memory_space<vmem>>) target(%dma_start3A_105 : memref<128x256xf32, #tpu.memory_space<hbm>>) target_semaphore(%arg8 : memref<!tpu.dma_semaphore, #tpu.memory_space<semaphore_mem>>)
    %add3A_106 = arith.constant 1024 : i32
    %add3A_107 = arith.addi %add3A_10, %add3A_106 : i32
    %dma_start3A_108 = arith.constant 0 : i32
    %dma_start3A_109 = tpu.memref_slice %arg4[%add3A_107, %dma_start3A_108] : memref<65536x256xf32, #tpu.memory_space<hbm>> -> memref<128x256xf32, #tpu.memory_space<hbm>>
    %dma_start3A_110 = arith.constant 0 : i32
    %dma_start3A_111 = tpu.memref_slice %arg4[%add3A_107, %dma_start3A_110] : memref<65536x256xf32, #tpu.memory_space<hbm>> -> memref<128x256xf32, #tpu.memory_space<hbm>>
    tpu.enqueue_dma source(%arg7 : memref<128x256xf32, #tpu.memory_space<vmem>>) target(%dma_start3A_111 : memref<128x256xf32, #tpu.memory_space<hbm>>) target_semaphore(%arg8 : memref<!tpu.dma_semaphore, #tpu.memory_space<semaphore_mem>>)
    %add3A_112 = arith.constant 1024 : i32
    %add3A_113 = arith.addi %add3A_10, %add3A_112 : i32
    %dma_start3A_114 = arith.constant 0 : i32
    %dma_start3A_115 = tpu.memref_slice %arg5[%add3A_113, %dma_start3A_114] : memref<65536x256xf32, #tpu.memory_space<hbm>> -> memref<128x256xf32, #tpu.memory_space<hbm>>
    %dma_start3A_116 = arith.constant 0 : i32
    %dma_start3A_117 = tpu.memref_slice %arg5[%add3A_113, %dma_start3A_116] : memref<65536x256xf32, #tpu.memory_space<hbm>> -> memref<128x256xf32, #tpu.memory_space<hbm>>
    tpu.enqueue_dma source(%arg7 : memref<128x256xf32, #tpu.memory_space<vmem>>) target(%dma_start3A_117 : memref<128x256xf32, #tpu.memory_space<hbm>>) target_semaphore(%arg8 : memref<!tpu.dma_semaphore, #tpu.memory_space<semaphore_mem>>)
    %add3A_118 = arith.constant 1152 : i32
    %add3A_119 = arith.addi %add3A_10, %add3A_118 : i32
    %dma_start3A_120 = arith.constant 0 : i32
    %dma_start3A_121 = tpu.memref_slice %arg4[%add3A_119, %dma_start3A_120] : memref<65536x256xf32, #tpu.memory_space<hbm>> -> memref<128x256xf32, #tpu.memory_space<hbm>>
    %dma_start3A_122 = arith.constant 0 : i32
    %dma_start3A_123 = tpu.memref_slice %arg4[%add3A_119, %dma_start3A_122] : memref<65536x256xf32, #tpu.memory_space<hbm>> -> memref<128x256xf32, #tpu.memory_space<hbm>>
    tpu.enqueue_dma source(%arg7 : memref<128x256xf32, #tpu.memory_space<vmem>>) target(%dma_start3A_123 : memref<128x256xf32, #tpu.memory_space<hbm>>) target_semaphore(%arg8 : memref<!tpu.dma_semaphore, #tpu.memory_space<semaphore_mem>>)
    %add3A_124 = arith.constant 1152 : i32
    %add3A_125 = arith.addi %add3A_10, %add3A_124 : i32
    %dma_start3A_126 = arith.constant 0 : i32
    %dma_start3A_127 = tpu.memref_slice %arg5[%add3A_125, %dma_start3A_126] : memref<65536x256xf32, #tpu.memory_space<hbm>> -> memref<128x256xf32, #tpu.memory_space<hbm>>
    %dma_start3A_128 = arith.constant 0 : i32
    %dma_start3A_129 = tpu.memref_slice %arg5[%add3A_125, %dma_start3A_128] : memref<65536x256xf32, #tpu.memory_space<hbm>> -> memref<128x256xf32, #tpu.memory_space<hbm>>
    tpu.enqueue_dma source(%arg7 : memref<128x256xf32, #tpu.memory_space<vmem>>) target(%dma_start3A_129 : memref<128x256xf32, #tpu.memory_space<hbm>>) target_semaphore(%arg8 : memref<!tpu.dma_semaphore, #tpu.memory_space<semaphore_mem>>)
    %add3A_130 = arith.constant 1280 : i32
    %add3A_131 = arith.addi %add3A_10, %add3A_130 : i32
    %dma_start3A_132 = arith.constant 0 : i32
    %dma_start3A_133 = tpu.memref_slice %arg4[%add3A_131, %dma_start3A_132] : memref<65536x256xf32, #tpu.memory_space<hbm>> -> memref<128x256xf32, #tpu.memory_space<hbm>>
    %dma_start3A_134 = arith.constant 0 : i32
    %dma_start3A_135 = tpu.memref_slice %arg4[%add3A_131, %dma_start3A_134] : memref<65536x256xf32, #tpu.memory_space<hbm>> -> memref<128x256xf32, #tpu.memory_space<hbm>>
    tpu.enqueue_dma source(%arg7 : memref<128x256xf32, #tpu.memory_space<vmem>>) target(%dma_start3A_135 : memref<128x256xf32, #tpu.memory_space<hbm>>) target_semaphore(%arg8 : memref<!tpu.dma_semaphore, #tpu.memory_space<semaphore_mem>>)
    %add3A_136 = arith.constant 1280 : i32
    %add3A_137 = arith.addi %add3A_10, %add3A_136 : i32
    %dma_start3A_138 = arith.constant 0 : i32
    %dma_start3A_139 = tpu.memref_slice %arg5[%add3A_137, %dma_start3A_138] : memref<65536x256xf32, #tpu.memory_space<hbm>> -> memref<128x256xf32, #tpu.memory_space<hbm>>
    %dma_start3A_140 = arith.constant 0 : i32
    %dma_start3A_141 = tpu.memref_slice %arg5[%add3A_137, %dma_start3A_140] : memref<65536x256xf32, #tpu.memory_space<hbm>> -> memref<128x256xf32, #tpu.memory_space<hbm>>
    tpu.enqueue_dma source(%arg7 : memref<128x256xf32, #tpu.memory_space<vmem>>) target(%dma_start3A_141 : memref<128x256xf32, #tpu.memory_space<hbm>>) target_semaphore(%arg8 : memref<!tpu.dma_semaphore, #tpu.memory_space<semaphore_mem>>)
    %add3A_142 = arith.constant 1408 : i32
    %add3A_143 = arith.addi %add3A_10, %add3A_142 : i32
    %dma_start3A_144 = arith.constant 0 : i32
    %dma_start3A_145 = tpu.memref_slice %arg4[%add3A_143, %dma_start3A_144] : memref<65536x256xf32, #tpu.memory_space<hbm>> -> memref<128x256xf32, #tpu.memory_space<hbm>>
    %dma_start3A_146 = arith.constant 0 : i32
    %dma_start3A_147 = tpu.memref_slice %arg4[%add3A_143, %dma_start3A_146] : memref<65536x256xf32, #tpu.memory_space<hbm>> -> memref<128x256xf32, #tpu.memory_space<hbm>>
    tpu.enqueue_dma source(%arg7 : memref<128x256xf32, #tpu.memory_space<vmem>>) target(%dma_start3A_147 : memref<128x256xf32, #tpu.memory_space<hbm>>) target_semaphore(%arg8 : memref<!tpu.dma_semaphore, #tpu.memory_space<semaphore_mem>>)
    %add3A_148 = arith.constant 1408 : i32
    %add3A_149 = arith.addi %add3A_10, %add3A_148 : i32
    %dma_start3A_150 = arith.constant 0 : i32
    %dma_start3A_151 = tpu.memref_slice %arg5[%add3A_149, %dma_start3A_150] : memref<65536x256xf32, #tpu.memory_space<hbm>> -> memref<128x256xf32, #tpu.memory_space<hbm>>
    %dma_start3A_152 = arith.constant 0 : i32
    %dma_start3A_153 = tpu.memref_slice %arg5[%add3A_149, %dma_start3A_152] : memref<65536x256xf32, #tpu.memory_space<hbm>> -> memref<128x256xf32, #tpu.memory_space<hbm>>
    tpu.enqueue_dma source(%arg7 : memref<128x256xf32, #tpu.memory_space<vmem>>) target(%dma_start3A_153 : memref<128x256xf32, #tpu.memory_space<hbm>>) target_semaphore(%arg8 : memref<!tpu.dma_semaphore, #tpu.memory_space<semaphore_mem>>)
    %add3A_154 = arith.constant 1536 : i32
    %add3A_155 = arith.addi %add3A_10, %add3A_154 : i32
    %dma_start3A_156 = arith.constant 0 : i32
    %dma_start3A_157 = tpu.memref_slice %arg4[%add3A_155, %dma_start3A_156] : memref<65536x256xf32, #tpu.memory_space<hbm>> -> memref<128x256xf32, #tpu.memory_space<hbm>>
    %dma_start3A_158 = arith.constant 0 : i32
    %dma_start3A_159 = tpu.memref_slice %arg4[%add3A_155, %dma_start3A_158] : memref<65536x256xf32, #tpu.memory_space<hbm>> -> memref<128x256xf32, #tpu.memory_space<hbm>>
    tpu.enqueue_dma source(%arg7 : memref<128x256xf32, #tpu.memory_space<vmem>>) target(%dma_start3A_159 : memref<128x256xf32, #tpu.memory_space<hbm>>) target_semaphore(%arg8 : memref<!tpu.dma_semaphore, #tpu.memory_space<semaphore_mem>>)
    %add3A_160 = arith.constant 1536 : i32
    %add3A_161 = arith.addi %add3A_10, %add3A_160 : i32
    %dma_start3A_162 = arith.constant 0 : i32
    %dma_start3A_163 = tpu.memref_slice %arg5[%add3A_161, %dma_start3A_162] : memref<65536x256xf32, #tpu.memory_space<hbm>> -> memref<128x256xf32, #tpu.memory_space<hbm>>
    %dma_start3A_164 = arith.constant 0 : i32
    %dma_start3A_165 = tpu.memref_slice %arg5[%add3A_161, %dma_start3A_164] : memref<65536x256xf32, #tpu.memory_space<hbm>> -> memref<128x256xf32, #tpu.memory_space<hbm>>
    tpu.enqueue_dma source(%arg7 : memref<128x256xf32, #tpu.memory_space<vmem>>) target(%dma_start3A_165 : memref<128x256xf32, #tpu.memory_space<hbm>>) target_semaphore(%arg8 : memref<!tpu.dma_semaphore, #tpu.memory_space<semaphore_mem>>)
    %add3A_166 = arith.constant 1664 : i32
    %add3A_167 = arith.addi %add3A_10, %add3A_166 : i32
    %dma_start3A_168 = arith.constant 0 : i32
    %dma_start3A_169 = tpu.memref_slice %arg4[%add3A_167, %dma_start3A_168] : memref<65536x256xf32, #tpu.memory_space<hbm>> -> memref<128x256xf32, #tpu.memory_space<hbm>>
    %dma_start3A_170 = arith.constant 0 : i32
    %dma_start3A_171 = tpu.memref_slice %arg4[%add3A_167, %dma_start3A_170] : memref<65536x256xf32, #tpu.memory_space<hbm>> -> memref<128x256xf32, #tpu.memory_space<hbm>>
    tpu.enqueue_dma source(%arg7 : memref<128x256xf32, #tpu.memory_space<vmem>>) target(%dma_start3A_171 : memref<128x256xf32, #tpu.memory_space<hbm>>) target_semaphore(%arg8 : memref<!tpu.dma_semaphore, #tpu.memory_space<semaphore_mem>>)
    %add3A_172 = arith.constant 1664 : i32
    %add3A_173 = arith.addi %add3A_10, %add3A_172 : i32
    %dma_start3A_174 = arith.constant 0 : i32
    %dma_start3A_175 = tpu.memref_slice %arg5[%add3A_173, %dma_start3A_174] : memref<65536x256xf32, #tpu.memory_space<hbm>> -> memref<128x256xf32, #tpu.memory_space<hbm>>
    %dma_start3A_176 = arith.constant 0 : i32
    %dma_start3A_177 = tpu.memref_slice %arg5[%add3A_173, %dma_start3A_176] : memref<65536x256xf32, #tpu.memory_space<hbm>> -> memref<128x256xf32, #tpu.memory_space<hbm>>
    tpu.enqueue_dma source(%arg7 : memref<128x256xf32, #tpu.memory_space<vmem>>) target(%dma_start3A_177 : memref<128x256xf32, #tpu.memory_space<hbm>>) target_semaphore(%arg8 : memref<!tpu.dma_semaphore, #tpu.memory_space<semaphore_mem>>)
    %add3A_178 = arith.constant 1792 : i32
    %add3A_179 = arith.addi %add3A_10, %add3A_178 : i32
    %dma_start3A_180 = arith.constant 0 : i32
    %dma_start3A_181 = tpu.memref_slice %arg4[%add3A_179, %dma_start3A_180] : memref<65536x256xf32, #tpu.memory_space<hbm>> -> memref<128x256xf32, #tpu.memory_space<hbm>>
    %dma_start3A_182 = arith.constant 0 : i32
    %dma_start3A_183 = tpu.memref_slice %arg4[%add3A_179, %dma_start3A_182] : memref<65536x256xf32, #tpu.memory_space<hbm>> -> memref<128x256xf32, #tpu.memory_space<hbm>>
    tpu.enqueue_dma source(%arg7 : memref<128x256xf32, #tpu.memory_space<vmem>>) target(%dma_start3A_183 : memref<128x256xf32, #tpu.memory_space<hbm>>) target_semaphore(%arg8 : memref<!tpu.dma_semaphore, #tpu.memory_space<semaphore_mem>>)
    %add3A_184 = arith.constant 1792 : i32
    %add3A_185 = arith.addi %add3A_10, %add3A_184 : i32
    %dma_start3A_186 = arith.constant 0 : i32
    %dma_start3A_187 = tpu.memref_slice %arg5[%add3A_185, %dma_start3A_186] : memref<65536x256xf32, #tpu.memory_space<hbm>> -> memref<128x256xf32, #tpu.memory_space<hbm>>
    %dma_start3A_188 = arith.constant 0 : i32
    %dma_start3A_189 = tpu.memref_slice %arg5[%add3A_185, %dma_start3A_188] : memref<65536x256xf32, #tpu.memory_space<hbm>> -> memref<128x256xf32, #tpu.memory_space<hbm>>
    tpu.enqueue_dma source(%arg7 : memref<128x256xf32, #tpu.memory_space<vmem>>) target(%dma_start3A_189 : memref<128x256xf32, #tpu.memory_space<hbm>>) target_semaphore(%arg8 : memref<!tpu.dma_semaphore, #tpu.memory_space<semaphore_mem>>)
    %mul3A_190 = arith.constant 128 : i32
    %mul3A_191 = arith.muli %add3A, %mul3A_190 : i32
    "tpu.region"() ({
      %run_scoped3A = tpu.sem_alloc : memref<!tpu.dma_semaphore, #tpu.memory_space<semaphore_mem>>
      %dma_start3A_311 = arith.constant 0 : i32
      %dma_start3A_312 = tpu.memref_slice %arg2[%mul3A_191, %dma_start3A_311] : memref<4096x256xf32, #tpu.memory_space<hbm>> -> memref<128x256xf32, #tpu.memory_space<hbm>>
      %dma_start3A_313 = arith.constant 0 : i32
      %dma_start3A_314 = tpu.memref_slice %arg2[%mul3A_191, %dma_start3A_313] : memref<4096x256xf32, #tpu.memory_space<hbm>> -> memref<128x256xf32, #tpu.memory_space<hbm>>
      tpu.enqueue_dma source(%dma_start3A_314 : memref<128x256xf32, #tpu.memory_space<hbm>>) target(%arg6 : memref<128x256xf32, #tpu.memory_space<vmem>>) target_semaphore(%run_scoped3A : memref<!tpu.dma_semaphore, #tpu.memory_space<semaphore_mem>>)
      %dma_wait3A_315 = arith.constant 0 : i32
      %dma_wait3A_316 = tpu.memref_slice %arg2[%mul3A_191, %dma_wait3A_315] : memref<4096x256xf32, #tpu.memory_space<hbm>> -> memref<128x256xf32, #tpu.memory_space<hbm>>
      %dma_wait3A_317 = arith.constant 0 : i32
      %dma_wait3A_318 = tpu.memref_slice %arg2[%mul3A_191, %dma_wait3A_317] : memref<4096x256xf32, #tpu.memory_space<hbm>> -> memref<128x256xf32, #tpu.memory_space<hbm>>
      tpu.wait_dma2 semaphore(%run_scoped3A : memref<!tpu.dma_semaphore, #tpu.memory_space<semaphore_mem>>) src(%dma_wait3A_318 : memref<128x256xf32, #tpu.memory_space<hbm>>) dst(%arg6 : memref<128x256xf32, #tpu.memory_space<vmem>>)
      tpu.yield
    }) : () -> ()
    "tpu.region"() ({
      %run_scoped3A = tpu.sem_alloc : memref<!tpu.dma_semaphore, #tpu.memory_space<semaphore_mem>>
      %dma_start3A_311 = arith.constant 0 : i32
      %dma_start3A_312 = tpu.memref_slice %arg4[%mul3A_191, %dma_start3A_311] : memref<65536x256xf32, #tpu.memory_space<hbm>> -> memref<128x256xf32, #tpu.memory_space<hbm>>
      %dma_start3A_313 = arith.constant 0 : i32
      %dma_start3A_314 = tpu.memref_slice %arg4[%mul3A_191, %dma_start3A_313] : memref<65536x256xf32, #tpu.memory_space<hbm>> -> memref<128x256xf32, #tpu.memory_space<hbm>>
      tpu.enqueue_dma source(%arg6 : memref<128x256xf32, #tpu.memory_space<vmem>>) target(%dma_start3A_314 : memref<128x256xf32, #tpu.memory_space<hbm>>) target_semaphore(%run_scoped3A : memref<!tpu.dma_semaphore, #tpu.memory_space<semaphore_mem>>)
      %dma_wait3A_315 = arith.constant 0 : i32
      %dma_wait3A_316 = tpu.memref_slice %arg4[%mul3A_191, %dma_wait3A_315] : memref<65536x256xf32, #tpu.memory_space<hbm>> -> memref<128x256xf32, #tpu.memory_space<hbm>>
      %dma_wait3A_317 = arith.constant 0 : i32
      %dma_wait3A_318 = tpu.memref_slice %arg4[%mul3A_191, %dma_wait3A_317] : memref<65536x256xf32, #tpu.memory_space<hbm>> -> memref<128x256xf32, #tpu.memory_space<hbm>>
      tpu.wait_dma2 semaphore(%run_scoped3A : memref<!tpu.dma_semaphore, #tpu.memory_space<semaphore_mem>>) src(%arg6 : memref<128x256xf32, #tpu.memory_space<vmem>>) dst(%dma_wait3A_318 : memref<128x256xf32, #tpu.memory_space<hbm>>)
      tpu.yield
    }) : () -> ()
    "tpu.region"() ({
      %run_scoped3A = tpu.sem_alloc : memref<!tpu.dma_semaphore, #tpu.memory_space<semaphore_mem>>
      %dma_start3A_311 = arith.constant 0 : i32
      %dma_start3A_312 = tpu.memref_slice %arg3[%mul3A_191, %dma_start3A_311] : memref<4096x256xf32, #tpu.memory_space<hbm>> -> memref<128x256xf32, #tpu.memory_space<hbm>>
      %dma_start3A_313 = arith.constant 0 : i32
      %dma_start3A_314 = tpu.memref_slice %arg3[%mul3A_191, %dma_start3A_313] : memref<4096x256xf32, #tpu.memory_space<hbm>> -> memref<128x256xf32, #tpu.memory_space<hbm>>
      tpu.enqueue_dma source(%dma_start3A_314 : memref<128x256xf32, #tpu.memory_space<hbm>>) target(%arg6 : memref<128x256xf32, #tpu.memory_space<vmem>>) target_semaphore(%run_scoped3A : memref<!tpu.dma_semaphore, #tpu.memory_space<semaphore_mem>>)
      %dma_wait3A_315 = arith.constant 0 : i32
      %dma_wait3A_316 = tpu.memref_slice %arg3[%mul3A_191, %dma_wait3A_315] : memref<4096x256xf32, #tpu.memory_space<hbm>> -> memref<128x256xf32, #tpu.memory_space<hbm>>
      %dma_wait3A_317 = arith.constant 0 : i32
      %dma_wait3A_318 = tpu.memref_slice %arg3[%mul3A_191, %dma_wait3A_317] : memref<4096x256xf32, #tpu.memory_space<hbm>> -> memref<128x256xf32, #tpu.memory_space<hbm>>
      tpu.wait_dma2 semaphore(%run_scoped3A : memref<!tpu.dma_semaphore, #tpu.memory_space<semaphore_mem>>) src(%dma_wait3A_318 : memref<128x256xf32, #tpu.memory_space<hbm>>) dst(%arg6 : memref<128x256xf32, #tpu.memory_space<vmem>>)
      tpu.yield
    }) : () -> ()
    "tpu.region"() ({
      %run_scoped3A = tpu.sem_alloc : memref<!tpu.dma_semaphore, #tpu.memory_space<semaphore_mem>>
      %dma_start3A_311 = arith.constant 0 : i32
      %dma_start3A_312 = tpu.memref_slice %arg5[%mul3A_191, %dma_start3A_311] : memref<65536x256xf32, #tpu.memory_space<hbm>> -> memref<128x256xf32, #tpu.memory_space<hbm>>
      %dma_start3A_313 = arith.constant 0 : i32
      %dma_start3A_314 = tpu.memref_slice %arg5[%mul3A_191, %dma_start3A_313] : memref<65536x256xf32, #tpu.memory_space<hbm>> -> memref<128x256xf32, #tpu.memory_space<hbm>>
      tpu.enqueue_dma source(%arg6 : memref<128x256xf32, #tpu.memory_space<vmem>>) target(%dma_start3A_314 : memref<128x256xf32, #tpu.memory_space<hbm>>) target_semaphore(%run_scoped3A : memref<!tpu.dma_semaphore, #tpu.memory_space<semaphore_mem>>)
      %dma_wait3A_315 = arith.constant 0 : i32
      %dma_wait3A_316 = tpu.memref_slice %arg5[%mul3A_191, %dma_wait3A_315] : memref<65536x256xf32, #tpu.memory_space<hbm>> -> memref<128x256xf32, #tpu.memory_space<hbm>>
      %dma_wait3A_317 = arith.constant 0 : i32
      %dma_wait3A_318 = tpu.memref_slice %arg5[%mul3A_191, %dma_wait3A_317] : memref<65536x256xf32, #tpu.memory_space<hbm>> -> memref<128x256xf32, #tpu.memory_space<hbm>>
      tpu.wait_dma2 semaphore(%run_scoped3A : memref<!tpu.dma_semaphore, #tpu.memory_space<semaphore_mem>>) src(%arg6 : memref<128x256xf32, #tpu.memory_space<vmem>>) dst(%dma_wait3A_318 : memref<128x256xf32, #tpu.memory_space<hbm>>)
      tpu.yield
    }) : () -> ()
    %dma_wait3A = arith.constant 0 : i32
    %dma_wait3A_192 = tpu.memref_slice %arg4[%add3A_12, %dma_wait3A] : memref<65536x256xf32, #tpu.memory_space<hbm>> -> memref<128x256xf32, #tpu.memory_space<hbm>>
    %dma_wait3A_193 = arith.constant 0 : i32
    %dma_wait3A_194 = tpu.memref_slice %arg4[%add3A_12, %dma_wait3A_193] : memref<65536x256xf32, #tpu.memory_space<hbm>> -> memref<128x256xf32, #tpu.memory_space<hbm>>
    tpu.wait_dma2 semaphore(%arg8 : memref<!tpu.dma_semaphore, #tpu.memory_space<semaphore_mem>>) src(%arg7 : memref<128x256xf32, #tpu.memory_space<vmem>>) dst(%dma_wait3A_194 : memref<128x256xf32, #tpu.memory_space<hbm>>)
    %dma_wait3A_195 = arith.constant 0 : i32
    %dma_wait3A_196 = tpu.memref_slice %arg5[%add3A_17, %dma_wait3A_195] : memref<65536x256xf32, #tpu.memory_space<hbm>> -> memref<128x256xf32, #tpu.memory_space<hbm>>
    %dma_wait3A_197 = arith.constant 0 : i32
    %dma_wait3A_198 = tpu.memref_slice %arg5[%add3A_17, %dma_wait3A_197] : memref<65536x256xf32, #tpu.memory_space<hbm>> -> memref<128x256xf32, #tpu.memory_space<hbm>>
    tpu.wait_dma2 semaphore(%arg8 : memref<!tpu.dma_semaphore, #tpu.memory_space<semaphore_mem>>) src(%arg7 : memref<128x256xf32, #tpu.memory_space<vmem>>) dst(%dma_wait3A_198 : memref<128x256xf32, #tpu.memory_space<hbm>>)
    %dma_wait3A_199 = arith.constant 0 : i32
    %dma_wait3A_200 = tpu.memref_slice %arg4[%add3A_23, %dma_wait3A_199] : memref<65536x256xf32, #tpu.memory_space<hbm>> -> memref<128x256xf32, #tpu.memory_space<hbm>>
    %dma_wait3A_201 = arith.constant 0 : i32
    %dma_wait3A_202 = tpu.memref_slice %arg4[%add3A_23, %dma_wait3A_201] : memref<65536x256xf32, #tpu.memory_space<hbm>> -> memref<128x256xf32, #tpu.memory_space<hbm>>
    tpu.wait_dma2 semaphore(%arg8 : memref<!tpu.dma_semaphore, #tpu.memory_space<semaphore_mem>>) src(%arg7 : memref<128x256xf32, #tpu.memory_space<vmem>>) dst(%dma_wait3A_202 : memref<128x256xf32, #tpu.memory_space<hbm>>)
    %dma_wait3A_203 = arith.constant 0 : i32
    %dma_wait3A_204 = tpu.memref_slice %arg5[%add3A_29, %dma_wait3A_203] : memref<65536x256xf32, #tpu.memory_space<hbm>> -> memref<128x256xf32, #tpu.memory_space<hbm>>
    %dma_wait3A_205 = arith.constant 0 : i32
    %dma_wait3A_206 = tpu.memref_slice %arg5[%add3A_29, %dma_wait3A_205] : memref<65536x256xf32, #tpu.memory_space<hbm>> -> memref<128x256xf32, #tpu.memory_space<hbm>>
    tpu.wait_dma2 semaphore(%arg8 : memref<!tpu.dma_semaphore, #tpu.memory_space<semaphore_mem>>) src(%arg7 : memref<128x256xf32, #tpu.memory_space<vmem>>) dst(%dma_wait3A_206 : memref<128x256xf32, #tpu.memory_space<hbm>>)
    %dma_wait3A_207 = arith.constant 0 : i32
    %dma_wait3A_208 = tpu.memref_slice %arg4[%add3A_35, %dma_wait3A_207] : memref<65536x256xf32, #tpu.memory_space<hbm>> -> memref<128x256xf32, #tpu.memory_space<hbm>>
    %dma_wait3A_209 = arith.constant 0 : i32
    %dma_wait3A_210 = tpu.memref_slice %arg4[%add3A_35, %dma_wait3A_209] : memref<65536x256xf32, #tpu.memory_space<hbm>> -> memref<128x256xf32, #tpu.memory_space<hbm>>
    tpu.wait_dma2 semaphore(%arg8 : memref<!tpu.dma_semaphore, #tpu.memory_space<semaphore_mem>>) src(%arg7 : memref<128x256xf32, #tpu.memory_space<vmem>>) dst(%dma_wait3A_210 : memref<128x256xf32, #tpu.memory_space<hbm>>)
    %dma_wait3A_211 = arith.constant 0 : i32
    %dma_wait3A_212 = tpu.memref_slice %arg5[%add3A_41, %dma_wait3A_211] : memref<65536x256xf32, #tpu.memory_space<hbm>> -> memref<128x256xf32, #tpu.memory_space<hbm>>
    %dma_wait3A_213 = arith.constant 0 : i32
    %dma_wait3A_214 = tpu.memref_slice %arg5[%add3A_41, %dma_wait3A_213] : memref<65536x256xf32, #tpu.memory_space<hbm>> -> memref<128x256xf32, #tpu.memory_space<hbm>>
    tpu.wait_dma2 semaphore(%arg8 : memref<!tpu.dma_semaphore, #tpu.memory_space<semaphore_mem>>) src(%arg7 : memref<128x256xf32, #tpu.memory_space<vmem>>) dst(%dma_wait3A_214 : memref<128x256xf32, #tpu.memory_space<hbm>>)
    %dma_wait3A_215 = arith.constant 0 : i32
    %dma_wait3A_216 = tpu.memref_slice %arg4[%add3A_47, %dma_wait3A_215] : memref<65536x256xf32, #tpu.memory_space<hbm>> -> memref<128x256xf32, #tpu.memory_space<hbm>>
    %dma_wait3A_217 = arith.constant 0 : i32
    %dma_wait3A_218 = tpu.memref_slice %arg4[%add3A_47, %dma_wait3A_217] : memref<65536x256xf32, #tpu.memory_space<hbm>> -> memref<128x256xf32, #tpu.memory_space<hbm>>
    tpu.wait_dma2 semaphore(%arg8 : memref<!tpu.dma_semaphore, #tpu.memory_space<semaphore_mem>>) src(%arg7 : memref<128x256xf32, #tpu.memory_space<vmem>>) dst(%dma_wait3A_218 : memref<128x256xf32, #tpu.memory_space<hbm>>)
    %dma_wait3A_219 = arith.constant 0 : i32
    %dma_wait3A_220 = tpu.memref_slice %arg5[%add3A_53, %dma_wait3A_219] : memref<65536x256xf32, #tpu.memory_space<hbm>> -> memref<128x256xf32, #tpu.memory_space<hbm>>
    %dma_wait3A_221 = arith.constant 0 : i32
    %dma_wait3A_222 = tpu.memref_slice %arg5[%add3A_53, %dma_wait3A_221] : memref<65536x256xf32, #tpu.memory_space<hbm>> -> memref<128x256xf32, #tpu.memory_space<hbm>>
    tpu.wait_dma2 semaphore(%arg8 : memref<!tpu.dma_semaphore, #tpu.memory_space<semaphore_mem>>) src(%arg7 : memref<128x256xf32, #tpu.memory_space<vmem>>) dst(%dma_wait3A_222 : memref<128x256xf32, #tpu.memory_space<hbm>>)
    %dma_wait3A_223 = arith.constant 0 : i32
    %dma_wait3A_224 = tpu.memref_slice %arg4[%add3A_59, %dma_wait3A_223] : memref<65536x256xf32, #tpu.memory_space<hbm>> -> memref<128x256xf32, #tpu.memory_space<hbm>>
    %dma_wait3A_225 = arith.constant 0 : i32
    %dma_wait3A_226 = tpu.memref_slice %arg4[%add3A_59, %dma_wait3A_225] : memref<65536x256xf32, #tpu.memory_space<hbm>> -> memref<128x256xf32, #tpu.memory_space<hbm>>
    tpu.wait_dma2 semaphore(%arg8 : memref<!tpu.dma_semaphore, #tpu.memory_space<semaphore_mem>>) src(%arg7 : memref<128x256xf32, #tpu.memory_space<vmem>>) dst(%dma_wait3A_226 : memref<128x256xf32, #tpu.memory_space<hbm>>)
    %dma_wait3A_227 = arith.constant 0 : i32
    %dma_wait3A_228 = tpu.memref_slice %arg5[%add3A_65, %dma_wait3A_227] : memref<65536x256xf32, #tpu.memory_space<hbm>> -> memref<128x256xf32, #tpu.memory_space<hbm>>
    %dma_wait3A_229 = arith.constant 0 : i32
    %dma_wait3A_230 = tpu.memref_slice %arg5[%add3A_65, %dma_wait3A_229] : memref<65536x256xf32, #tpu.memory_space<hbm>> -> memref<128x256xf32, #tpu.memory_space<hbm>>
    tpu.wait_dma2 semaphore(%arg8 : memref<!tpu.dma_semaphore, #tpu.memory_space<semaphore_mem>>) src(%arg7 : memref<128x256xf32, #tpu.memory_space<vmem>>) dst(%dma_wait3A_230 : memref<128x256xf32, #tpu.memory_space<hbm>>)
    %dma_wait3A_231 = arith.constant 0 : i32
    %dma_wait3A_232 = tpu.memref_slice %arg4[%add3A_71, %dma_wait3A_231] : memref<65536x256xf32, #tpu.memory_space<hbm>> -> memref<128x256xf32, #tpu.memory_space<hbm>>
    %dma_wait3A_233 = arith.constant 0 : i32
    %dma_wait3A_234 = tpu.memref_slice %arg4[%add3A_71, %dma_wait3A_233] : memref<65536x256xf32, #tpu.memory_space<hbm>> -> memref<128x256xf32, #tpu.memory_space<hbm>>
    tpu.wait_dma2 semaphore(%arg8 : memref<!tpu.dma_semaphore, #tpu.memory_space<semaphore_mem>>) src(%arg7 : memref<128x256xf32, #tpu.memory_space<vmem>>) dst(%dma_wait3A_234 : memref<128x256xf32, #tpu.memory_space<hbm>>)
    %dma_wait3A_235 = arith.constant 0 : i32
    %dma_wait3A_236 = tpu.memref_slice %arg5[%add3A_77, %dma_wait3A_235] : memref<65536x256xf32, #tpu.memory_space<hbm>> -> memref<128x256xf32, #tpu.memory_space<hbm>>
    %dma_wait3A_237 = arith.constant 0 : i32
    %dma_wait3A_238 = tpu.memref_slice %arg5[%add3A_77, %dma_wait3A_237] : memref<65536x256xf32, #tpu.memory_space<hbm>> -> memref<128x256xf32, #tpu.memory_space<hbm>>
    tpu.wait_dma2 semaphore(%arg8 : memref<!tpu.dma_semaphore, #tpu.memory_space<semaphore_mem>>) src(%arg7 : memref<128x256xf32, #tpu.memory_space<vmem>>) dst(%dma_wait3A_238 : memref<128x256xf32, #tpu.memory_space<hbm>>)
    %dma_wait3A_239 = arith.constant 0 : i32
    %dma_wait3A_240 = tpu.memref_slice %arg4[%add3A_83, %dma_wait3A_239] : memref<65536x256xf32, #tpu.memory_space<hbm>> -> memref<128x256xf32, #tpu.memory_space<hbm>>
    %dma_wait3A_241 = arith.constant 0 : i32
    %dma_wait3A_242 = tpu.memref_slice %arg4[%add3A_83, %dma_wait3A_241] : memref<65536x256xf32, #tpu.memory_space<hbm>> -> memref<128x256xf32, #tpu.memory_space<hbm>>
    tpu.wait_dma2 semaphore(%arg8 : memref<!tpu.dma_semaphore, #tpu.memory_space<semaphore_mem>>) src(%arg7 : memref<128x256xf32, #tpu.memory_space<vmem>>) dst(%dma_wait3A_242 : memref<128x256xf32, #tpu.memory_space<hbm>>)
    %dma_wait3A_243 = arith.constant 0 : i32
    %dma_wait3A_244 = tpu.memref_slice %arg5[%add3A_89, %dma_wait3A_243] : memref<65536x256xf32, #tpu.memory_space<hbm>> -> memref<128x256xf32, #tpu.memory_space<hbm>>
    %dma_wait3A_245 = arith.constant 0 : i32
    %dma_wait3A_246 = tpu.memref_slice %arg5[%add3A_89, %dma_wait3A_245] : memref<65536x256xf32, #tpu.memory_space<hbm>> -> memref<128x256xf32, #tpu.memory_space<hbm>>
    tpu.wait_dma2 semaphore(%arg8 : memref<!tpu.dma_semaphore, #tpu.memory_space<semaphore_mem>>) src(%arg7 : memref<128x256xf32, #tpu.memory_space<vmem>>) dst(%dma_wait3A_246 : memref<128x256xf32, #tpu.memory_space<hbm>>)
    %dma_wait3A_247 = arith.constant 0 : i32
    %dma_wait3A_248 = tpu.memref_slice %arg4[%add3A_95, %dma_wait3A_247] : memref<65536x256xf32, #tpu.memory_space<hbm>> -> memref<128x256xf32, #tpu.memory_space<hbm>>
    %dma_wait3A_249 = arith.constant 0 : i32
    %dma_wait3A_250 = tpu.memref_slice %arg4[%add3A_95, %dma_wait3A_249] : memref<65536x256xf32, #tpu.memory_space<hbm>> -> memref<128x256xf32, #tpu.memory_space<hbm>>
    tpu.wait_dma2 semaphore(%arg8 : memref<!tpu.dma_semaphore, #tpu.memory_space<semaphore_mem>>) src(%arg7 : memref<128x256xf32, #tpu.memory_space<vmem>>) dst(%dma_wait3A_250 : memref<128x256xf32, #tpu.memory_space<hbm>>)
    %dma_wait3A_251 = arith.constant 0 : i32
    %dma_wait3A_252 = tpu.memref_slice %arg5[%add3A_101, %dma_wait3A_251] : memref<65536x256xf32, #tpu.memory_space<hbm>> -> memref<128x256xf32, #tpu.memory_space<hbm>>
    %dma_wait3A_253 = arith.constant 0 : i32
    %dma_wait3A_254 = tpu.memref_slice %arg5[%add3A_101, %dma_wait3A_253] : memref<65536x256xf32, #tpu.memory_space<hbm>> -> memref<128x256xf32, #tpu.memory_space<hbm>>
    tpu.wait_dma2 semaphore(%arg8 : memref<!tpu.dma_semaphore, #tpu.memory_space<semaphore_mem>>) src(%arg7 : memref<128x256xf32, #tpu.memory_space<vmem>>) dst(%dma_wait3A_254 : memref<128x256xf32, #tpu.memory_space<hbm>>)
    %dma_wait3A_255 = arith.constant 0 : i32
    %dma_wait3A_256 = tpu.memref_slice %arg4[%add3A_107, %dma_wait3A_255] : memref<65536x256xf32, #tpu.memory_space<hbm>> -> memref<128x256xf32, #tpu.memory_space<hbm>>
    %dma_wait3A_257 = arith.constant 0 : i32
    %dma_wait3A_258 = tpu.memref_slice %arg4[%add3A_107, %dma_wait3A_257] : memref<65536x256xf32, #tpu.memory_space<hbm>> -> memref<128x256xf32, #tpu.memory_space<hbm>>
    tpu.wait_dma2 semaphore(%arg8 : memref<!tpu.dma_semaphore, #tpu.memory_space<semaphore_mem>>) src(%arg7 : memref<128x256xf32, #tpu.memory_space<vmem>>) dst(%dma_wait3A_258 : memref<128x256xf32, #tpu.memory_space<hbm>>)
    %dma_wait3A_259 = arith.constant 0 : i32
    %dma_wait3A_260 = tpu.memref_slice %arg5[%add3A_113, %dma_wait3A_259] : memref<65536x256xf32, #tpu.memory_space<hbm>> -> memref<128x256xf32, #tpu.memory_space<hbm>>
    %dma_wait3A_261 = arith.constant 0 : i32
    %dma_wait3A_262 = tpu.memref_slice %arg5[%add3A_113, %dma_wait3A_261] : memref<65536x256xf32, #tpu.memory_space<hbm>> -> memref<128x256xf32, #tpu.memory_space<hbm>>
    tpu.wait_dma2 semaphore(%arg8 : memref<!tpu.dma_semaphore, #tpu.memory_space<semaphore_mem>>) src(%arg7 : memref<128x256xf32, #tpu.memory_space<vmem>>) dst(%dma_wait3A_262 : memref<128x256xf32, #tpu.memory_space<hbm>>)
    %dma_wait3A_263 = arith.constant 0 : i32
    %dma_wait3A_264 = tpu.memref_slice %arg4[%add3A_119, %dma_wait3A_263] : memref<65536x256xf32, #tpu.memory_space<hbm>> -> memref<128x256xf32, #tpu.memory_space<hbm>>
    %dma_wait3A_265 = arith.constant 0 : i32
    %dma_wait3A_266 = tpu.memref_slice %arg4[%add3A_119, %dma_wait3A_265] : memref<65536x256xf32, #tpu.memory_space<hbm>> -> memref<128x256xf32, #tpu.memory_space<hbm>>
    tpu.wait_dma2 semaphore(%arg8 : memref<!tpu.dma_semaphore, #tpu.memory_space<semaphore_mem>>) src(%arg7 : memref<128x256xf32, #tpu.memory_space<vmem>>) dst(%dma_wait3A_266 : memref<128x256xf32, #tpu.memory_space<hbm>>)
    %dma_wait3A_267 = arith.constant 0 : i32
    %dma_wait3A_268 = tpu.memref_slice %arg5[%add3A_125, %dma_wait3A_267] : memref<65536x256xf32, #tpu.memory_space<hbm>> -> memref<128x256xf32, #tpu.memory_space<hbm>>
    %dma_wait3A_269 = arith.constant 0 : i32
    %dma_wait3A_270 = tpu.memref_slice %arg5[%add3A_125, %dma_wait3A_269] : memref<65536x256xf32, #tpu.memory_space<hbm>> -> memref<128x256xf32, #tpu.memory_space<hbm>>
    tpu.wait_dma2 semaphore(%arg8 : memref<!tpu.dma_semaphore, #tpu.memory_space<semaphore_mem>>) src(%arg7 : memref<128x256xf32, #tpu.memory_space<vmem>>) dst(%dma_wait3A_270 : memref<128x256xf32, #tpu.memory_space<hbm>>)
    %dma_wait3A_271 = arith.constant 0 : i32
    %dma_wait3A_272 = tpu.memref_slice %arg4[%add3A_131, %dma_wait3A_271] : memref<65536x256xf32, #tpu.memory_space<hbm>> -> memref<128x256xf32, #tpu.memory_space<hbm>>
    %dma_wait3A_273 = arith.constant 0 : i32
    %dma_wait3A_274 = tpu.memref_slice %arg4[%add3A_131, %dma_wait3A_273] : memref<65536x256xf32, #tpu.memory_space<hbm>> -> memref<128x256xf32, #tpu.memory_space<hbm>>
    tpu.wait_dma2 semaphore(%arg8 : memref<!tpu.dma_semaphore, #tpu.memory_space<semaphore_mem>>) src(%arg7 : memref<128x256xf32, #tpu.memory_space<vmem>>) dst(%dma_wait3A_274 : memref<128x256xf32, #tpu.memory_space<hbm>>)
    %dma_wait3A_275 = arith.constant 0 : i32
    %dma_wait3A_276 = tpu.memref_slice %arg5[%add3A_137, %dma_wait3A_275] : memref<65536x256xf32, #tpu.memory_space<hbm>> -> memref<128x256xf32, #tpu.memory_space<hbm>>
    %dma_wait3A_277 = arith.constant 0 : i32
    %dma_wait3A_278 = tpu.memref_slice %arg5[%add3A_137, %dma_wait3A_277] : memref<65536x256xf32, #tpu.memory_space<hbm>> -> memref<128x256xf32, #tpu.memory_space<hbm>>
    tpu.wait_dma2 semaphore(%arg8 : memref<!tpu.dma_semaphore, #tpu.memory_space<semaphore_mem>>) src(%arg7 : memref<128x256xf32, #tpu.memory_space<vmem>>) dst(%dma_wait3A_278 : memref<128x256xf32, #tpu.memory_space<hbm>>)
    %dma_wait3A_279 = arith.constant 0 : i32
    %dma_wait3A_280 = tpu.memref_slice %arg4[%add3A_143, %dma_wait3A_279] : memref<65536x256xf32, #tpu.memory_space<hbm>> -> memref<128x256xf32, #tpu.memory_space<hbm>>
    %dma_wait3A_281 = arith.constant 0 : i32
    %dma_wait3A_282 = tpu.memref_slice %arg4[%add3A_143, %dma_wait3A_281] : memref<65536x256xf32, #tpu.memory_space<hbm>> -> memref<128x256xf32, #tpu.memory_space<hbm>>
    tpu.wait_dma2 semaphore(%arg8 : memref<!tpu.dma_semaphore, #tpu.memory_space<semaphore_mem>>) src(%arg7 : memref<128x256xf32, #tpu.memory_space<vmem>>) dst(%dma_wait3A_282 : memref<128x256xf32, #tpu.memory_space<hbm>>)
    %dma_wait3A_283 = arith.constant 0 : i32
    %dma_wait3A_284 = tpu.memref_slice %arg5[%add3A_149, %dma_wait3A_283] : memref<65536x256xf32, #tpu.memory_space<hbm>> -> memref<128x256xf32, #tpu.memory_space<hbm>>
    %dma_wait3A_285 = arith.constant 0 : i32
    %dma_wait3A_286 = tpu.memref_slice %arg5[%add3A_149, %dma_wait3A_285] : memref<65536x256xf32, #tpu.memory_space<hbm>> -> memref<128x256xf32, #tpu.memory_space<hbm>>
    tpu.wait_dma2 semaphore(%arg8 : memref<!tpu.dma_semaphore, #tpu.memory_space<semaphore_mem>>) src(%arg7 : memref<128x256xf32, #tpu.memory_space<vmem>>) dst(%dma_wait3A_286 : memref<128x256xf32, #tpu.memory_space<hbm>>)
    %dma_wait3A_287 = arith.constant 0 : i32
    %dma_wait3A_288 = tpu.memref_slice %arg4[%add3A_155, %dma_wait3A_287] : memref<65536x256xf32, #tpu.memory_space<hbm>> -> memref<128x256xf32, #tpu.memory_space<hbm>>
    %dma_wait3A_289 = arith.constant 0 : i32
    %dma_wait3A_290 = tpu.memref_slice %arg4[%add3A_155, %dma_wait3A_289] : memref<65536x256xf32, #tpu.memory_space<hbm>> -> memref<128x256xf32, #tpu.memory_space<hbm>>
    tpu.wait_dma2 semaphore(%arg8 : memref<!tpu.dma_semaphore, #tpu.memory_space<semaphore_mem>>) src(%arg7 : memref<128x256xf32, #tpu.memory_space<vmem>>) dst(%dma_wait3A_290 : memref<128x256xf32, #tpu.memory_space<hbm>>)
    %dma_wait3A_291 = arith.constant 0 : i32
    %dma_wait3A_292 = tpu.memref_slice %arg5[%add3A_161, %dma_wait3A_291] : memref<65536x256xf32, #tpu.memory_space<hbm>> -> memref<128x256xf32, #tpu.memory_space<hbm>>
    %dma_wait3A_293 = arith.constant 0 : i32
    %dma_wait3A_294 = tpu.memref_slice %arg5[%add3A_161, %dma_wait3A_293] : memref<65536x256xf32, #tpu.memory_space<hbm>> -> memref<128x256xf32, #tpu.memory_space<hbm>>
    tpu.wait_dma2 semaphore(%arg8 : memref<!tpu.dma_semaphore, #tpu.memory_space<semaphore_mem>>) src(%arg7 : memref<128x256xf32, #tpu.memory_space<vmem>>) dst(%dma_wait3A_294 : memref<128x256xf32, #tpu.memory_space<hbm>>)
    %dma_wait3A_295 = arith.constant 0 : i32
    %dma_wait3A_296 = tpu.memref_slice %arg4[%add3A_167, %dma_wait3A_295] : memref<65536x256xf32, #tpu.memory_space<hbm>> -> memref<128x256xf32, #tpu.memory_space<hbm>>
    %dma_wait3A_297 = arith.constant 0 : i32
    %dma_wait3A_298 = tpu.memref_slice %arg4[%add3A_167, %dma_wait3A_297] : memref<65536x256xf32, #tpu.memory_space<hbm>> -> memref<128x256xf32, #tpu.memory_space<hbm>>
    tpu.wait_dma2 semaphore(%arg8 : memref<!tpu.dma_semaphore, #tpu.memory_space<semaphore_mem>>) src(%arg7 : memref<128x256xf32, #tpu.memory_space<vmem>>) dst(%dma_wait3A_298 : memref<128x256xf32, #tpu.memory_space<hbm>>)
    %dma_wait3A_299 = arith.constant 0 : i32
    %dma_wait3A_300 = tpu.memref_slice %arg5[%add3A_173, %dma_wait3A_299] : memref<65536x256xf32, #tpu.memory_space<hbm>> -> memref<128x256xf32, #tpu.memory_space<hbm>>
    %dma_wait3A_301 = arith.constant 0 : i32
    %dma_wait3A_302 = tpu.memref_slice %arg5[%add3A_173, %dma_wait3A_301] : memref<65536x256xf32, #tpu.memory_space<hbm>> -> memref<128x256xf32, #tpu.memory_space<hbm>>
    tpu.wait_dma2 semaphore(%arg8 : memref<!tpu.dma_semaphore, #tpu.memory_space<semaphore_mem>>) src(%arg7 : memref<128x256xf32, #tpu.memory_space<vmem>>) dst(%dma_wait3A_302 : memref<128x256xf32, #tpu.memory_space<hbm>>)
    %dma_wait3A_303 = arith.constant 0 : i32
    %dma_wait3A_304 = tpu.memref_slice %arg4[%add3A_179, %dma_wait3A_303] : memref<65536x256xf32, #tpu.memory_space<hbm>> -> memref<128x256xf32, #tpu.memory_space<hbm>>
    %dma_wait3A_305 = arith.constant 0 : i32
    %dma_wait3A_306 = tpu.memref_slice %arg4[%add3A_179, %dma_wait3A_305] : memref<65536x256xf32, #tpu.memory_space<hbm>> -> memref<128x256xf32, #tpu.memory_space<hbm>>
    tpu.wait_dma2 semaphore(%arg8 : memref<!tpu.dma_semaphore, #tpu.memory_space<semaphore_mem>>) src(%arg7 : memref<128x256xf32, #tpu.memory_space<vmem>>) dst(%dma_wait3A_306 : memref<128x256xf32, #tpu.memory_space<hbm>>)
    %dma_wait3A_307 = arith.constant 0 : i32
    %dma_wait3A_308 = tpu.memref_slice %arg5[%add3A_185, %dma_wait3A_307] : memref<65536x256xf32, #tpu.memory_space<hbm>> -> memref<128x256xf32, #tpu.memory_space<hbm>>
    %dma_wait3A_309 = arith.constant 0 : i32
    %dma_wait3A_310 = tpu.memref_slice %arg5[%add3A_185, %dma_wait3A_309] : memref<65536x256xf32, #tpu.memory_space<hbm>> -> memref<128x256xf32, #tpu.memory_space<hbm>>
    tpu.wait_dma2 semaphore(%arg8 : memref<!tpu.dma_semaphore, #tpu.memory_space<semaphore_mem>>) src(%arg7 : memref<128x256xf32, #tpu.memory_space<vmem>>) dst(%dma_wait3A_310 : memref<128x256xf32, #tpu.memory_space<hbm>>)
    return
  }
}

</mosaic_0001>

<sc_bundles>
// kernel: _run.3.cloned.1.call-start
scs
__scs_entry_jumppad:
0x0: {  	(pc) =	sbr.rel $0x88, $3  }
0x1: {  	(tag) =	ssettag $0x0;
	lr =	simm.s32 $0x1  }
0x2: {  	[smem:$0x3F9F] =	sst lr;
	_ =	strace $0xD0000000  }
0x3: {  	_ = 	snop  }
0x4: {  	_ = 	snop  }
0x5: {  	_ = 	snop  }
0x6: {  	_ = 	snop  }
0x7: {  	_ = 	snop  }
__scs_overlays_trampoline_lowered:
0x8: {  	[smem:$0x3FAE] =	sst s0  }
0x9: {  	[smem:$0x3FAF] =	sst s1  }
0xa: {  	[smem:$0x3FB0] =	sst s2  }
0xb: {  	[smem:$0x3FB1] =	sst s3  }
0xc: {  	[smem:$0x3FB2] =	sst s4  }
0xd: {  	[smem:$0x3FB3] =	sst s5  }
0xe: {  	[smem:$0x3FB4] =	sst s6  }
0xf: {  	[smem:$0x3FB5] =	sst s7  }
0x10: {  	[smem:$0x3FB6] =	sst s8  }
0x11: {  	[smem:$0x3FB7] =	sst s9;
	s0 =	simm.s32 @!p0 $0x0  }
0x12: {  	s1 =	sld [smem:$0x3F9D];
	s0 =	simm.s32 @p0 $0x1  }
0x13: {  	[smem:$0x3FB8] =	sst s0;
	s0 =	simm.s32 @!p1 $0x0  }
0x14: {  	s2 =	sld [smem:$0x3F9C];
	s0 =	simm.s32 @p1 $0x1  }
0x15: {  	[smem:$0x3FB9] =	sst s0;
	s0 =	simm.s32 @!p2 $0x0  }
0x16: {  	s3 =	sld [smem:$0x3FDB];
	s0 =	simm.s32 @p2 $0x1  }
0x17: {  	s4 =	simm.s32 $0x1BF5;
	[smem:$0x3FBB] =	sst s0  }
0x18: {  	s0 =	sld [smem:$0x3F9E];
	_ =	swait.ge [sflag:s4], $0x0  }
0x19: {  	s7 =	sld [smem:$0x3F9F]  }
0x1a: {  	s8 =	sadd.s32 $0xFFFFE003, lr  }
0x1b: {  	s9 =	sadd.s32 $0xFFFFFEF7, lr;
	s5 =	simm.s32 $0xFFFFFFFF;
	p2 =	slt.u32 s8, $0xFFFFF086  }
0x1c: {  	p1 =	slt.u32 s9, $0xF7A;
	s5 =	simm.s32 @!p2 $0x0  }
0x1d: {  	s5 =	simm.s32 @p1 $0x1;
	p0 =	seq.s32 s7, s2  }
0x1e: {  	s7 =	smul.u32 @!p0 $0xF7A, s2;
	p2 =	seq.s32 @!p0 s5, $0x0  }
0x1f: {  	s9 =	smul.u32 $0xF7A, s1;
	s8 =	simm.s32 @!p0 $0x1BF5;
	p2 =	por !p2, p0  }
0x20: {  	[sflag:s8] =	ssyncset.s32 @!p0 $0xFFFFF086;
	s6 =	sadd.s32 @!p0 s3, s7;
	s7 =	simm.s32 @!p0 $0x108  }
0x21: {  	s3 =	sadd.s32 s3, s9;
	s6 =	sadd.s32 @!p0 $0x88, s6;
	s7 =	simm.s32 @p2 $0x1082  }
0x22: {  	[simem:s7], [sflag:s8] =	dma.local @!p0 [hbm:s6], $0xF7A  }
0x23: {  	s9 =	sor.u32 $0xD0000000, s2;
	s6 =	simm.s32 $0x108;
	_ =	swait.ge @!p0 [sflag:s8], $0x0  }
0x24: {  	s3 =	sadd.s32 $0x88, s3;
	s6 =	simm.s32 @!p1 $0x1082;
	[sflag:s4] =	ssyncset.s32 $0xFFFFF086  }
0x25: {  	[simem:s6], [sflag:s4] =	dma.local [hbm:s3], $0xF7A  }
0x26: {  	[smem:$0x3F9F] =	sst s1;
	(tag) =	ssettag s2;
	_ =	strace s9  }
0x27: {  	s1 =	sld [smem:$0x3FAF]  }
0x28: {  	s2 =	sld [smem:$0x3FB0]  }
0x29: {  	s4 =	sld [smem:$0x3FB2]  }
0x2a: {  	p0 =	seq.s32 s5, $0x0;
	s5 =	sld [smem:$0x3FB3]  }
0x2b: {  	s6 =	sld [smem:$0x3FB4]  }
0x2c: {  	s7 =	sld [smem:$0x3FB5]  }
0x2d: {  	s3 =	simm.s32 $0x108;
	s8 =	sld [smem:$0x3FB6]  }
0x2e: {  	s3 =	simm.s32 @!p0 $0x1082;
	s9 =	sld [smem:$0x3FB7]  }
0x2f: {  	lr =	sadd.s32 s0, s3;
	s0 =	sld [smem:$0x3FAE]  }
0x30: {  	s3 =	sld [smem:$0x3FB1]  }
0x31: {  	[smem:$0x3FBA] =	sst s10  }
0x32: {  	s10 =	sld [smem:$0x3FB8];
	_ =	sdelay $0x3  }
0x33: {  	p0 =	seq.s32 s10, $0x1;
	s10 =	sld [smem:$0x3FBA];
	_ =	sdelay $0x3  }
0x34: {  	[smem:$0x3FBA] =	sst s10  }
0x35: {  	s10 =	sld [smem:$0x3FB9];
	_ =	sdelay $0x3  }
0x36: {  	p1 =	seq.s32 s10, $0x1;
	s10 =	sld [smem:$0x3FBA];
	_ =	sdelay $0x3  }
0x37: {  	[smem:$0x3FBA] =	sst s10  }
0x38: {  	s10 =	sld [smem:$0x3FBB]  }
0x39: {  	_ = 	snop;
	(pc) =	sbr.ind lr, $3  }
0x3a: {  	_ = 	snop  }
0x3b: {  	_ = 	snop  }
0x3c: {  	p2 =	seq.s32 s10, $0x1;
	s10 =	sld [smem:$0x3FBA]  }
0x3d: {  	_ =	shalt  }
0x3e: {  	_ =	shalt  }
0x3f: {  	_ =	shalt  }
0x40: {  	_ =	shalt  }
0x41: {  	_ =	shalt  }
0x42: {  	_ =	shalt  }
0x43: {  	_ =	shalt  }
0x44: {  	_ =	shalt  }
0x45: {  	_ =	shalt  }
0x46: {  	_ =	shalt  }
0x47: {  	_ =	shalt  }
0x48: {  	_ =	shalt  }
0x49: {  	_ =	shalt  }
0x4a: {  	_ =	shalt  }
0x4b: {  	_ =	shalt  }
0x4c: {  	_ =	shalt  }
0x4d: {  	_ =	shalt  }
0x4e: {  	_ =	shalt  }
0x4f: {  	_ =	shalt  }
0x50: {  	_ =	shalt  }
0x51: {  	_ =	shalt  }
0x52: {  	_ =	shalt  }
0x53: {  	_ =	shalt  }
0x54: {  	_ =	shalt  }
0x55: {  	_ =	shalt  }
0x56: {  	_ =	shalt  }
0x57: {  	_ =	shalt  }
0x58: {  	_ =	shalt  }
0x59: {  	_ =	shalt  }
0x5a: {  	_ =	shalt  }
0x5b: {  	_ =	shalt  }
0x5c: {  	_ =	shalt  }
0x5d: {  	_ =	shalt  }
0x5e: {  	_ =	shalt  }
0x5f: {  	_ =	shalt  }
0x60: {  	_ =	shalt  }
0x61: {  	_ =	shalt  }
0x62: {  	_ =	shalt  }
0x63: {  	_ =	shalt  }
0x64: {  	_ =	shalt  }
0x65: {  	_ =	shalt  }
0x66: {  	_ =	shalt  }
0x67: {  	_ =	shalt  }
0x68: {  	_ =	shalt  }
0x69: {  	_ =	shalt  }
0x6a: {  	_ =	shalt  }
0x6b: {  	_ =	shalt  }
0x6c: {  	_ =	shalt  }
0x6d: {  	_ =	shalt  }
0x6e: {  	_ =	shalt  }
0x6f: {  	_ =	shalt  }
0x70: {  	_ =	shalt  }
0x71: {  	_ =	shalt  }
0x72: {  	_ =	shalt  }
0x73: {  	_ =	shalt  }
0x74: {  	_ =	shalt  }
0x75: {  	_ =	shalt  }
0x76: {  	_ =	shalt  }
0x77: {  	_ =	shalt  }
0x78: {  	_ =	shalt  }
0x79: {  	_ =	shalt  }
0x7a: {  	_ =	shalt  }
0x7b: {  	_ =	shalt  }
0x7c: {  	_ =	shalt  }
0x7d: {  	_ =	shalt  }
0x7e: {  	_ =	shalt  }
0x7f: {  	_ =	shalt  }
0x80: {  	_ =	shalt  }
0x81: {  	_ =	shalt  }
0x82: {  	_ =	shalt  }
0x83: {  	_ =	shalt  }
0x84: {  	_ =	shalt  }
0x85: {  	_ =	shalt  }
0x86: {  	_ =	shalt  }
0x87: {  	_ =	shalt  }
.Lfunc_end0:
.L_simem_size_0:
called_computation_lowered:
.L_overlay_start_0:
0x88: {  	s2 =	sld [smem:$0x3FD9]  }
0x89: {  	s3 =	sld [smem:$0x3FFE];
	_ =	sdelay $0x1  }
0x8a: {  	s1 =	srdreg.scid  }
0x8b: {  	s0 =	sand.u32 $0x1, s1  }
0x8c: {  	s15 =	sshll.u32 s0, $0xA;
	s2 =	sadd.s32 s3, s2  }
0x8d: {  	s2 =	sadd.s32 s2, s15  }
0x8e: {  	[smem:$0x3FC6] =	sst s2  }
0x8f: {  	_ = 	snop  }
0x90: {  	s2 =	sld [smem:$0x3FD0];
	_ =	sdelay $0x1  }
0x91: {  	s16 =	sld [smem:$0x3FC9]  }
0x92: {  	s5 =	simm.s32 $0xA;
	s6 =	simm.s32 $0x10;
	s4 =	sld [smem:$0x3FC8]  }
0x93: {  	[smem:s6], [sflag:s5] =	dma.local [hbm:s2], $0x1  }
0x94: {  	_ =	swait.eq [sflag:s5], $0x1  }
0x95: {  	[sflag:s5] =	ssyncset.done $0x0  }
0x96: {  	s17 =	sld [smem:$0x10];
	[sflag:s5] =	ssyncadd.s32 $0xFFFFFFFF  }
0x97: {  	s18 =	sld [smem:$0x11];
	(tm) =	ssettm $0x1  }
0x98: {  	s19 =	sld [smem:$0x3FFB];
	_ =	sdelay $0x3  }
0x99: {  	_ =	strace s19  }
0x9a: {  	s6 =	sld [smem:$0x3FFC];
	_ =	sdelay $0x3  }
0x9b: {  	_ =	strace s6  }
0x9c: {  	s6 =	sld [smem:$0x3FFD];
	_ =	sdelay $0x3  }
0x9d: {  	_ =	strace s6  }
0x9e: {  	_ =	strace $0x8FFFFFFF  }
0x9f: {  	s20 =	sld [smem:$0x3FDB];
	_ =	sdelay $0x1  }
0xa0: {  	s7 =	simm.s32 $_scs_section_size  }
0xa1: {  	s8 =	simm.s32 $_size__tile_overlayer_lowered;
	s9 =	simm.s32 $_tile_overlayer_lowered  }
0xa2: {  	s23 =	simm.s32 $0x1BFF;
	s22 =	sshll.u32 s9, $0x1;
	s6 =	sadd.s32 s7, s20  }
0xa3: {  	s10 =	simm.s32 $0x0;
	s21 =	sshll.u32 s8, $0x1;
	s8 =	sadd.s32 s22, s6  }
0xa4: {  	[timem:s10], [sflag:s23] =	dma.local [hbm:s8], s21  }
0xa5: {  	_ =	swait.ge [sflag:s23], s21  }
0xa6: {  	s7 =	ssub.s32 $0x0, s21;
	[sflag:s23] =	ssyncset.done $0x0  }
0xa7: {  	[sflag:s23] =	ssyncadd.s32 s7;
	_ =	sdelay $0x1  }
0xa8: {  	s24 =	simm.s32 $0x1B8B  }
0xa9: {  	_ =	swait.ge [sflag:s24], $0x1  }
0xaa: {  	[sflag:s24] =	ssyncset.done $0x0  }
0xab: {  	s25 =	simm.s32 $0x1B8E;
	[sflag:s24] =	ssyncadd.s32 $0xFFFFFFFF  }
0xac: {  	s26 =	simm.s32 $execute0_lowered;
	[smem:$0x3FD2] =	sst s25  }
0xad: {  	s7 =	sshll.u32 s26, $0x1;
	_ =	strace $0x80000046;
	[dreg:$0x1] =	wrdreg $0xFFFFFFFF  }
0xae: {  	s28 =	simm.s32 $_size_execute0_lowered;
	s6 =	sadd.s32 s6, s7;
	[dreg:$0x0] =	wrdreg $0x0  }
0xaf: {  	s7 =	sshll.u32 s28, $0x1;
	[dreg:$0x2] =	wrdreg s6  }
0xb0: {  	[dreg:$0x3] =	wrdreg s7  }
0xb1: {  	[dreg:$0x4] =	wrdreg $0xC0  }
0xb2: {  	_ =	task [dreg:s10], $0x5FFFF  }
0xb3: {  	[dreg:$0x1] =	wrdreg $0xFFFFFFFF  }
0xb4: {  	[dreg:$0x0] =	wrdreg $0x60  }
0xb5: {  	[dreg:$0x2] =	wrdreg s16  }
0xb6: {  	[dreg:$0x3] =	wrdreg s4  }
0xb7: {  	[dreg:$0x4] =	wrdreg s17  }
0xb8: {  	[dreg:$0x5] =	wrdreg s18  }
0xb9: {  	[dreg:$0x6] =	wrdreg $0x9  }
0xba: {  	_ =	task.clear_ibuf [dreg:s10], $0x7FFFF;
	_ =	strace $0x90000046  }
0xbb: {  	s29 =	simm.s32 $0x9;
	_ =	strace $0x80000048  }
0xbc: {  	_ =	swait.ge [sflag:s29], $0x1  }
0xbd: {  	[sflag:s29] =	ssyncadd.s32 $0xFFFFFFFF  }
0xbe: {  	_ =	strace $0x90000048  }
0xbf: {  	_ =	sfence  }
0xc0: {  	s30 =	sld [smem:$0x0];
	_ =	sdelay $0x2  }
0xc1: {  	s31 =	sshll.u32 s1, $0xD;
	s1 =	sshrl.u32 s1, $0x2  }
0xc2: {  	s3 =	sand.u32 $0x4000, s31;
	s1 =	sadd.s32 s1, s30  }
0xc3: {  	s0 =	sor.u32 s3, s0;
	s1 =	sshll.u32 s1, $0x11  }
0xc4: {  	s0 =	sor.u32 s1, s0  }
0xc5: {  	s0 =	sadd.s32 $0x8F2B, s0  }
0xc6: {  	[sflag:s0] =	ssyncadd.remote.s32 $0x1  }
0xc7: {  	_ =	sfence.sel $0xFFFF  }
0xc8: {  	[dreg:$0x0] =	wrdreg $0xFFFFFFFF;
	(pc) =	sbr.abs _section_cstart, $3  }
0xc9: {  	[dreg:$0x1] =	wrdreg $0xFFFFFFFF  }
0xca: {  	_ =	task.clear_ibuf [dreg:s10], $0x2FFFF;
	_ =	strace $0x9FFFFFFF  }
0xcb: {  	(tm) =	ssettm $0x7FFFFFFF  }
tec
execute0_lowered:
.L_overlay_start_1:
0x0: {  	(tag) =	ssettag $0x1  }
0x1: {  	s0 =	srdreg.scid;
	s1 =	stileid.u32  }
0x2: {  	s0 =	sand.u32 $0x1, s0;
	s1 =	sshll.u32 s1, $0x1  }
0x3: {  	s2 =	sor.u32 s0, s1  }
0x4: {  	s1 =	smul.u32 $0x78000, s2  }
0x5: {  	s3 =	rddreg [dreg:$0x2];
	s0 =	ssub.s32 $0x2, s0  }
0x6: {  	s5 =	rddreg [dreg:$0x3];
	s6 =	sshrl.u32 s0, $0x1;
	s4 =	sshrl.u32 s1, $0x3  }
0x7: {  	s6 =	ssub.s32 s0, s6;
	s1 =	simm.s32 $0x0;
	s7 =	sadd.s32 $0x20000, s4  }
0x8: {  	s6 =	smax.u32 s6, $0x1;
	[smem:$0x7FF] =	sst s1;
	s9 =	sadd.s32 s3, s7  }
0x9: {  	s11 =	sadd.s32 $0x21000, s4;
	s10 =	sadd.s32 s5, s7;
	[dreg:$0x5] =	wrdreg s9  }
0xa: {  	s12 =	sadd.s32 $0x22000, s4;
	s8 =	sadd.s32 s3, s11;
	[dreg:$0x6] =	wrdreg s10  }
0xb: {  	s15 =	sadd.s32 $0x23000, s4;
	s0 =	sadd.s32 s5, s11;
	[dreg:$0x7] =	wrdreg s8  }
0xc: {  	s16 =	sadd.s32 $0x24000, s4;
	s13 =	sadd.s32 s3, s12;
	[dreg:$0x8] =	wrdreg s0  }
0xd: {  	s20 =	sadd.s32 $0x25000, s4;
	s14 =	sadd.s32 s5, s12;
	[dreg:$0x9] =	wrdreg s13  }
0xe: {  	s21 =	sadd.s32 $0x26000, s4;
	s17 =	sadd.s32 s3, s15;
	[dreg:$0xa] =	wrdreg s14  }
0xf: {  	s25 =	sadd.s32 $0x27000, s4;
	s18 =	sadd.s32 s3, s16;
	[dreg:$0xb] =	wrdreg s17  }
0x10: {  	s26 =	sadd.s32 $0x28000, s4;
	s19 =	sadd.s32 s5, s16;
	[dreg:$0xd] =	wrdreg s18  }
0x11: {  	s22 =	sadd.s32 s3, s20;
	s23 =	sadd.s32 s3, s21;
	[dreg:$0xe] =	wrdreg s19  }
0x12: {  	s24 =	sadd.s32 s5, s21;
	s16 =	sadd.s32 s3, s25;
	[dreg:$0xf] =	wrdreg s22  }
0x13: {  	s11 =	sadd.s32 $0x2C000, s4;
	s12 =	sadd.s32 $0x2D000, s4;
	[dreg:$0x11] =	wrdreg s23  }
0x14: {  	s7 =	simm.s32 $0x8000;
	s0 =	sadd.s32 s5, s15;
	[dreg:$0x12] =	wrdreg s24  }
0x15: {  	s17 =	sadd.s32 s5, s25;
	s18 =	sadd.s32 s3, s26;
	s19 =	sadd.s32 s5, s26  }
0x16: {  	s8 =	sadd.s32 $0x29000, s4;
	s9 =	sadd.s32 $0x2A000, s4;
	s10 =	sadd.s32 $0x2B000, s4  }
0x17: {  	s26 =	sadd.s32 s3, s11;
	s28 =	sadd.s32 s5, s11;
	s14 =	rddreg [dreg:$0x0]  }
0x18: {  	s4 =	sadd.s32 $0x2E000, s4;
	s29 =	sadd.s32 s3, s12;
	s15 =	rddreg [dreg:$0x1]  }
0x19: {  	s30 =	sadd.s32 s5, s12;
	s13 =	sshll.u32 s2, $0xC;
	[dreg:$0xc] =	wrdreg s0  }
0x1a: {  	s0 =	sadd.s32 s5, s20;
	s20 =	sadd.s32 s3, s8;
	s21 =	sadd.s32 s5, s8  }
0x1b: {  	s22 =	sadd.s32 s3, s9;
	s23 =	sadd.s32 s5, s9;
	s24 =	sadd.s32 s3, s10  }
0x1c: {  	s25 =	sadd.s32 s5, s10;
	s31 =	sadd.s32 s3, s4;
	s2 =	sadd.s32 s14, s13  }
0x1d: {  	s3 =	sadd.s32 s3, s13;
	s8 =	simm.s32 $0x2;
	s9 =	simm.s32 $0x1  }
0x1e: {  	s10 =	simm.s32 $0x0;
	[dreg:$0x10] =	wrdreg s0;
	s0 =	sadd.s32 s5, s4  }
0x1f: {  	v0 =	vimm.f32 $0.0e+00;
	s4 =	sadd.s32 s15, s13;
	s5 =	sadd.s32 s5, s13;
	_ =	strace $0x80000047  }
.LBB2_1:
0x20: {  	s11 =	sand.u32 $0x7800, s1;
	s12 =	sand.u32 $0x380, s1  }
0x21: {  	s11 =	sor.u32 s12, s11  }
0x22: {  	[tilespmem:s11+$0x8470] =	vst v0  }
0x23: {  	[tilespmem:s11+$0x8000] =	vst v0  }
0x24: {  	[tilespmem:s11+$0x8010] =	vst v0  }
0x25: {  	[tilespmem:s11+$0x8020] =	vst v0  }
0x26: {  	[tilespmem:s11+$0x8030] =	vst v0  }
0x27: {  	[tilespmem:s11+$0x8040] =	vst v0  }
0x28: {  	[tilespmem:s11+$0x8050] =	vst v0  }
0x29: {  	[tilespmem:s11+$0x8060] =	vst v0  }
0x2a: {  	[tilespmem:s11+$0x8070] =	vst v0  }
0x2b: {  	[tilespmem:s11+$0x8400] =	vst v0  }
0x2c: {  	[tilespmem:s11+$0x8410] =	vst v0  }
0x2d: {  	[tilespmem:s11+$0x8420] =	vst v0  }
0x2e: {  	[tilespmem:s11+$0x8430] =	vst v0  }
0x2f: {  	s13 =	simm.s32 $0x100;
	s12 =	simm.s32 $0x80;
	[tilespmem:s11+$0x8440] =	vst v0  }
0x30: {  	s14 =	sand.u32 $0x7800, s13;
	s13 =	simm.s32 $0x200;
	s15 =	sand.u32 $0x380, s12;
	[tilespmem:s11+$0x8450] =	vst v0  }
.LBB2_2:
0x31: {  	p0 =	sne.s32 s13, $0x7F00;
	[tilespmem:s11+$0x8460] =	vst v0;
	s11 =	sor.u32 s15, s14  }
0x32: {  	[tilespmem:s11+$0x8470] =	vst v0  }
0x33: {  	[tilespmem:s11+$0x8000] =	vst v0  }
0x34: {  	[tilespmem:s11+$0x8010] =	vst v0  }
0x35: {  	[tilespmem:s11+$0x8020] =	vst v0  }
0x36: {  	[tilespmem:s11+$0x8030] =	vst v0  }
0x37: {  	[tilespmem:s11+$0x8040] =	vst v0  }
0x38: {  	[tilespmem:s11+$0x8050] =	vst v0  }
0x39: {  	[tilespmem:s11+$0x8060] =	vst v0  }
0x3a: {  	[tilespmem:s11+$0x8070] =	vst v0  }
0x3b: {  	[tilespmem:s11+$0x8400] =	vst v0  }
.Ltmp0:
0x3c: {  	[tilespmem:s11+$0x8410] =	vst v0;
	(pc) =	sbr.rel @p0 .LBB2_2-.Ltmp0, $4  }
0x3d: {  	[tilespmem:s11+$0x8420] =	vst v0  }
0x3e: {  	[tilespmem:s11+$0x8430] =	vst v0  }
0x3f: {  	s12 =	sadd.s32 $0x80, s12;
	[tilespmem:s11+$0x8440] =	vst v0  }
0x40: {  	s14 =	sand.u32 $0x7800, s13;
	s13 =	sadd.s32 $0x100, s13;
	s15 =	sand.u32 $0x380, s12;
	[tilespmem:s11+$0x8450] =	vst v0  }
0x41: {  	s12 =	sor.u32 s15, s14;
	[tilespmem:s11+$0x8460] =	vst v0  }
0x42: {  	[tilespmem:s12+$0x8470] =	vst v0  }
0x43: {  	[tilespmem:s12+$0x8000] =	vst v0  }
0x44: {  	[tilespmem:s12+$0x8010] =	vst v0  }
0x45: {  	[tilespmem:s12+$0x8020] =	vst v0  }
0x46: {  	[tilespmem:s12+$0x8030] =	vst v0  }
0x47: {  	[tilespmem:s12+$0x8040] =	vst v0  }
0x48: {  	[tilespmem:s12+$0x8050] =	vst v0  }
0x49: {  	[tilespmem:s12+$0x8060] =	vst v0  }
0x4a: {  	[tilespmem:s12+$0x8070] =	vst v0  }
0x4b: {  	[tilespmem:s12+$0x8400] =	vst v0  }
0x4c: {  	[tilespmem:s12+$0x8410] =	vst v0  }
0x4d: {  	[tilespmem:s12+$0x8420] =	vst v0  }
0x4e: {  	[tilespmem:s12+$0x8430] =	vst v0  }
0x4f: {  	[tilespmem:s12+$0x8440] =	vst v0  }
0x50: {  	[tilespmem:s12+$0x8450] =	vst v0  }
0x51: {  	s14 =	rddreg [dreg:$0x5];
	[tilespmem:s12+$0x8460] =	vst v0  }
0x52: {  	[hbm4b:s14+s1] =	stream.linear.scatter [tilespmem:s7], [sflag:$0x1], $0x8000, $0x38;
	[tilespmem:$0x10000] =	vst v63  }
0x53: {  	s15 =	rddreg [dreg:$0x6]  }
0x54: {  	[hbm4b:s15+s1] =	stream.linear.scatter [tilespmem:s7], [sflag:$0x1], $0x8000, $0x38;
	[tilespmem:$0x10000] =	vst v63  }
0x55: {  	s12 =	rddreg [dreg:$0x7]  }
0x56: {  	[hbm4b:s12+s1] =	stream.linear.scatter [tilespmem:s7], [sflag:$0x1], $0x8000, $0x38;
	[tilespmem:$0x10000] =	vst v63  }
0x57: {  	s13 =	rddreg [dreg:$0x8]  }
0x58: {  	[hbm4b:s13+s1] =	stream.linear.scatter [tilespmem:s7], [sflag:$0x1], $0x8000, $0x38;
	[tilespmem:$0x10000] =	vst v63  }
0x59: {  	s14 =	rddreg [dreg:$0x9]  }
0x5a: {  	[hbm4b:s14+s1] =	stream.linear.scatter [tilespmem:s7], [sflag:$0x1], $0x8000, $0x38;
	[tilespmem:$0x10000] =	vst v63  }
0x5b: {  	s15 =	rddreg [dreg:$0xa]  }
0x5c: {  	[hbm4b:s15+s1] =	stream.linear.scatter [tilespmem:s7], [sflag:$0x1], $0x8000, $0x38;
	[tilespmem:$0x10000] =	vst v63  }
0x5d: {  	s12 =	rddreg [dreg:$0xb]  }
0x5e: {  	[hbm4b:s12+s1] =	stream.linear.scatter [tilespmem:s7], [sflag:$0x1], $0x8000, $0x38;
	[tilespmem:$0x10000] =	vst v63  }
0x5f: {  	s13 =	rddreg [dreg:$0xc]  }
0x60: {  	[hbm4b:s13+s1] =	stream.linear.scatter [tilespmem:s7], [sflag:$0x1], $0x8000, $0x38;
	[tilespmem:$0x10000] =	vst v63  }
0x61: {  	s14 =	rddreg [dreg:$0xd]  }
0x62: {  	[hbm4b:s14+s1] =	stream.linear.scatter [tilespmem:s7], [sflag:$0x1], $0x8000, $0x38;
	[tilespmem:$0x10000] =	vst v63  }
0x63: {  	s15 =	rddreg [dreg:$0xe]  }
0x64: {  	[hbm4b:s15+s1] =	stream.linear.scatter [tilespmem:s7], [sflag:$0x1], $0x8000, $0x38;
	[tilespmem:$0x10000] =	vst v63  }
0x65: {  	s12 =	rddreg [dreg:$0xf]  }
0x66: {  	[hbm4b:s12+s1] =	stream.linear.scatter [tilespmem:s7], [sflag:$0x1], $0x8000, $0x38;
	[tilespmem:$0x10000] =	vst v63  }
0x67: {  	s13 =	rddreg [dreg:$0x10]  }
0x68: {  	[hbm4b:s13+s1] =	stream.linear.scatter [tilespmem:s7], [sflag:$0x1], $0x8000, $0x38;
	[tilespmem:$0x10000] =	vst v63  }
0x69: {  	s14 =	rddreg [dreg:$0x11]  }
0x6a: {  	[hbm4b:s14+s1] =	stream.linear.scatter [tilespmem:s7], [sflag:$0x1], $0x8000, $0x38;
	[tilespmem:$0x10000] =	vst v63  }
0x6b: {  	s15 =	rddreg [dreg:$0x12]  }
0x6c: {  	[hbm4b:s15+s1] =	stream.linear.scatter [tilespmem:s7], [sflag:$0x1], $0x8000, $0x38;
	[tilespmem:$0x10000] =	vst v63  }
0x6d: {  	_ = 	snop  }
0x6e: {  	[hbm4b:s16+s1] =	stream.linear.scatter [tilespmem:s7], [sflag:$0x1], $0x8000, $0x38;
	[tilespmem:$0x10000] =	vst v63  }
0x6f: {  	_ = 	snop  }
0x70: {  	[hbm4b:s17+s1] =	stream.linear.scatter [tilespmem:s7], [sflag:$0x1], $0x8000, $0x38;
	[tilespmem:$0x10000] =	vst v63  }
0x71: {  	_ = 	snop  }
0x72: {  	[hbm4b:s18+s1] =	stream.linear.scatter [tilespmem:s7], [sflag:$0x1], $0x8000, $0x38;
	[tilespmem:$0x10000] =	vst v63  }
0x73: {  	_ = 	snop  }
0x74: {  	[hbm4b:s19+s1] =	stream.linear.scatter [tilespmem:s7], [sflag:$0x1], $0x8000, $0x38;
	[tilespmem:$0x10000] =	vst v63  }
0x75: {  	_ = 	snop  }
0x76: {  	[hbm4b:s20+s1] =	stream.linear.scatter [tilespmem:s7], [sflag:$0x1], $0x8000, $0x38;
	[tilespmem:$0x10000] =	vst v63  }
0x77: {  	_ = 	snop  }
0x78: {  	[hbm4b:s21+s1] =	stream.linear.scatter [tilespmem:s7], [sflag:$0x1], $0x8000, $0x38;
	[tilespmem:$0x10000] =	vst v63  }
0x79: {  	_ = 	snop  }
0x7a: {  	[hbm4b:s22+s1] =	stream.linear.scatter [tilespmem:s7], [sflag:$0x1], $0x8000, $0x38;
	[tilespmem:$0x10000] =	vst v63  }
0x7b: {  	_ = 	snop  }
0x7c: {  	[hbm4b:s23+s1] =	stream.linear.scatter [tilespmem:s7], [sflag:$0x1], $0x8000, $0x38;
	[tilespmem:$0x10000] =	vst v63  }
0x7d: {  	_ = 	snop  }
0x7e: {  	[hbm4b:s24+s1] =	stream.linear.scatter [tilespmem:s7], [sflag:$0x1], $0x8000, $0x38;
	[tilespmem:$0x10000] =	vst v63  }
0x7f: {  	_ = 	snop  }
0x80: {  	[hbm4b:s25+s1] =	stream.linear.scatter [tilespmem:s7], [sflag:$0x1], $0x8000, $0x38;
	[tilespmem:$0x10000] =	vst v63  }
0x81: {  	_ = 	snop  }
0x82: {  	[hbm4b:s26+s1] =	stream.linear.scatter [tilespmem:s7], [sflag:$0x1], $0x8000, $0x38;
	[tilespmem:$0x10000] =	vst v63  }
0x83: {  	_ = 	snop  }
0x84: {  	[hbm4b:s28+s1] =	stream.linear.scatter [tilespmem:s7], [sflag:$0x1], $0x8000, $0x38;
	[tilespmem:$0x10000] =	vst v63  }
0x85: {  	_ = 	snop  }
0x86: {  	[hbm4b:s29+s1] =	stream.linear.scatter [tilespmem:s7], [sflag:$0x1], $0x8000, $0x38;
	[tilespmem:$0x10000] =	vst v63  }
0x87: {  	_ = 	snop  }
0x88: {  	[hbm4b:s30+s1] =	stream.linear.scatter [tilespmem:s7], [sflag:$0x1], $0x8000, $0x38;
	[tilespmem:$0x10000] =	vst v63  }
0x89: {  	_ = 	snop  }
0x8a: {  	[hbm4b:s31+s1] =	stream.linear.scatter [tilespmem:s7], [sflag:$0x1], $0x8000, $0x38;
	[tilespmem:$0x10000] =	vst v63  }
0x8b: {  	_ = 	snop  }
0x8c: {  	[hbm4b:s0+s1] =	stream.linear.scatter [tilespmem:s7], [sflag:$0x1], $0x8000, $0x38;
	[tilespmem:$0x10000] =	vst v63  }
0x8d: {  	_ = 	snop  }
0x8e: {  	[tilespmem:s1], [sflag:$0x2] =	stream.linear.gather [hbm4b:s2+s1], $0x8000, $0x38;
	[tilespmem:$0x10000] =	vst v63  }
0x8f: {  	_ =	swait.ge [sflag:s8], $0x8000  }
0x90: {  	[sflag:s8] =	ssyncset.done $0x0  }
0x91: {  	[sflag:s8] =	ssyncadd.s32 $0xFFFF8000  }
0x92: {  	[hbm4b:s3+s1] =	stream.linear.scatter [tilespmem:s1], [sflag:$0x2], $0x8000, $0x38;
	[tilespmem:$0x10000] =	vst v63  }
0x93: {  	_ =	swait.ge [sflag:s8], $0x8000  }
0x94: {  	[sflag:s8] =	ssyncset.done $0x0  }
0x95: {  	[sflag:s8] =	ssyncadd.s32 $0xFFFF8000  }
0x96: {  	[tilespmem:s1], [sflag:$0x2] =	stream.linear.gather [hbm4b:s4+s1], $0x8000, $0x38;
	[tilespmem:$0x10000] =	vst v63  }
0x97: {  	_ =	swait.ge [sflag:s8], $0x8000  }
0x98: {  	[sflag:s8] =	ssyncset.done $0x0  }
0x99: {  	[sflag:s8] =	ssyncadd.s32 $0xFFFF8000  }
0x9a: {  	[hbm4b:s5+s1] =	stream.linear.scatter [tilespmem:s1], [sflag:$0x2], $0x8000, $0x38;
	[tilespmem:$0x10000] =	vst v63  }
0x9b: {  	_ =	swait.ge [sflag:s8], $0x8000  }
0x9c: {  	[sflag:s8] =	ssyncset.done $0x0  }
0x9d: {  	[sflag:s8] =	ssyncadd.s32 $0xFFFF8000  }
0x9e: {  	_ =	swait.ge [sflag:s9], $0x8000  }
0x9f: {  	[sflag:s9] =	ssyncset.done $0x0  }
0xa0: {  	[sflag:s9] =	ssyncadd.s32 $0xFFFF8000  }
0xa1: {  	_ =	swait.ge [sflag:s9], $0x8000  }
0xa2: {  	[sflag:s9] =	ssyncset.done $0x0  }
0xa3: {  	[sflag:s9] =	ssyncadd.s32 $0xFFFF8000  }
0xa4: {  	_ =	swait.ge [sflag:s9], $0x8000  }
0xa5: {  	[sflag:s9] =	ssyncset.done $0x0  }
0xa6: {  	[sflag:s9] =	ssyncadd.s32 $0xFFFF8000  }
0xa7: {  	_ =	swait.ge [sflag:s9], $0x8000  }
0xa8: {  	[sflag:s9] =	ssyncset.done $0x0  }
0xa9: {  	[sflag:s9] =	ssyncadd.s32 $0xFFFF8000  }
0xaa: {  	_ =	swait.ge [sflag:s9], $0x8000  }
0xab: {  	[sflag:s9] =	ssyncset.done $0x0  }
0xac: {  	[sflag:s9] =	ssyncadd.s32 $0xFFFF8000  }
0xad: {  	_ =	swait.ge [sflag:s9], $0x8000  }
0xae: {  	[sflag:s9] =	ssyncset.done $0x0  }
0xaf: {  	[sflag:s9] =	ssyncadd.s32 $0xFFFF8000  }
0xb0: {  	_ =	swait.ge [sflag:s9], $0x8000  }
0xb1: {  	[sflag:s9] =	ssyncset.done $0x0  }
0xb2: {  	[sflag:s9] =	ssyncadd.s32 $0xFFFF8000  }
0xb3: {  	_ =	swait.ge [sflag:s9], $0x8000  }
0xb4: {  	[sflag:s9] =	ssyncset.done $0x0  }
0xb5: {  	[sflag:s9] =	ssyncadd.s32 $0xFFFF8000  }
0xb6: {  	_ =	swait.ge [sflag:s9], $0x8000  }
0xb7: {  	[sflag:s9] =	ssyncset.done $0x0  }
0xb8: {  	[sflag:s9] =	ssyncadd.s32 $0xFFFF8000  }
0xb9: {  	_ =	swait.ge [sflag:s9], $0x8000  }
0xba: {  	[sflag:s9] =	ssyncset.done $0x0  }
0xbb: {  	[sflag:s9] =	ssyncadd.s32 $0xFFFF8000  }
0xbc: {  	_ =	swait.ge [sflag:s9], $0x8000  }
0xbd: {  	[sflag:s9] =	ssyncset.done $0x0  }
0xbe: {  	[sflag:s9] =	ssyncadd.s32 $0xFFFF8000  }
0xbf: {  	_ =	swait.ge [sflag:s9], $0x8000  }
0xc0: {  	[sflag:s9] =	ssyncset.done $0x0  }
0xc1: {  	[sflag:s9] =	ssyncadd.s32 $0xFFFF8000  }
0xc2: {  	_ =	swait.ge [sflag:s9], $0x8000  }
0xc3: {  	[sflag:s9] =	ssyncset.done $0x0  }
0xc4: {  	[sflag:s9] =	ssyncadd.s32 $0xFFFF8000  }
0xc5: {  	_ =	swait.ge [sflag:s9], $0x8000  }
0xc6: {  	[sflag:s9] =	ssyncset.done $0x0  }
0xc7: {  	[sflag:s9] =	ssyncadd.s32 $0xFFFF8000  }
0xc8: {  	_ =	swait.ge [sflag:s9], $0x8000  }
0xc9: {  	[sflag:s9] =	ssyncset.done $0x0  }
0xca: {  	[sflag:s9] =	ssyncadd.s32 $0xFFFF8000  }
0xcb: {  	_ =	swait.ge [sflag:s9], $0x8000  }
0xcc: {  	[sflag:s9] =	ssyncset.done $0x0  }
0xcd: {  	[sflag:s9] =	ssyncadd.s32 $0xFFFF8000  }
0xce: {  	_ =	swait.ge [sflag:s9], $0x8000  }
0xcf: {  	[sflag:s9] =	ssyncset.done $0x0  }
0xd0: {  	[sflag:s9] =	ssyncadd.s32 $0xFFFF8000  }
0xd1: {  	_ =	swait.ge [sflag:s9], $0x8000  }
0xd2: {  	[sflag:s9] =	ssyncset.done $0x0  }
0xd3: {  	[sflag:s9] =	ssyncadd.s32 $0xFFFF8000  }
0xd4: {  	_ =	swait.ge [sflag:s9], $0x8000  }
0xd5: {  	[sflag:s9] =	ssyncset.done $0x0  }
0xd6: {  	[sflag:s9] =	ssyncadd.s32 $0xFFFF8000  }
0xd7: {  	_ =	swait.ge [sflag:s9], $0x8000  }
0xd8: {  	[sflag:s9] =	ssyncset.done $0x0  }
0xd9: {  	[sflag:s9] =	ssyncadd.s32 $0xFFFF8000  }
0xda: {  	_ =	swait.ge [sflag:s9], $0x8000  }
0xdb: {  	[sflag:s9] =	ssyncset.done $0x0  }
0xdc: {  	[sflag:s9] =	ssyncadd.s32 $0xFFFF8000  }
0xdd: {  	_ =	swait.ge [sflag:s9], $0x8000  }
0xde: {  	[sflag:s9] =	ssyncset.done $0x0  }
0xdf: {  	[sflag:s9] =	ssyncadd.s32 $0xFFFF8000  }
0xe0: {  	_ =	swait.ge [sflag:s9], $0x8000  }
0xe1: {  	[sflag:s9] =	ssyncset.done $0x0  }
0xe2: {  	[sflag:s9] =	ssyncadd.s32 $0xFFFF8000  }
0xe3: {  	_ =	swait.ge [sflag:s9], $0x8000  }
0xe4: {  	[sflag:s9] =	ssyncset.done $0x0  }
0xe5: {  	[sflag:s9] =	ssyncadd.s32 $0xFFFF8000  }
0xe6: {  	_ =	swait.ge [sflag:s9], $0x8000  }
0xe7: {  	[sflag:s9] =	ssyncset.done $0x0  }
0xe8: {  	[sflag:s9] =	ssyncadd.s32 $0xFFFF8000  }
0xe9: {  	_ =	swait.ge [sflag:s9], $0x8000  }
0xea: {  	[sflag:s9] =	ssyncset.done $0x0  }
0xeb: {  	[sflag:s9] =	ssyncadd.s32 $0xFFFF8000  }
0xec: {  	_ =	swait.ge [sflag:s9], $0x8000  }
0xed: {  	[sflag:s9] =	ssyncset.done $0x0  }
0xee: {  	[sflag:s9] =	ssyncadd.s32 $0xFFFF8000  }
0xef: {  	_ =	swait.ge [sflag:s9], $0x8000  }
0xf0: {  	[sflag:s9] =	ssyncset.done $0x0  }
0xf1: {  	s10 =	sadd.s32 $0x1, s10;
	[sflag:s9] =	ssyncadd.s32 $0xFFFF8000  }
0xf2: {  	p0 =	sne.s32 s10, s6;
	_ =	swait.ge [sflag:s9], $0x8000  }
.Ltmp1:
0xf3: {  	[sflag:s9] =	ssyncset.done $0x0;
	(pc) =	sbr.rel @p0 .LBB2_1-.Ltmp1, $4  }
0xf4: {  	[sflag:s9] =	ssyncadd.s32 $0xFFFF8000  }
0xf5: {  	_ =	swait.ge [sflag:s9], $0x8000  }
0xf6: {  	[sflag:s9] =	ssyncset.done $0x0  }
0xf7: {  	[sflag:s9] =	ssyncadd.s32 $0xFFFF8000  }
0xf8: {  	_ =	sfence.sel $0x180000  }
0xf9: {  	[bflag:$0x0] =	sbarrier.arrive $0xFFFF  }
0xfa: {  	_ =	strace $0x90000047  }
0xfb: {  	s0 =	stileid.u32;
	[bflag:$0x2] =	sbarrier.arrive $0xFFFF  }
0xfc: {  	p0 =	sne.s32 s0, $0x0;
	s0 =	rddreg [dreg:$0x4]  }
0xfd: {  	s0 =	sadd.s32 @!p0 $0x100000, s0  }
0xfe: {  	[sflag:s0] =	ssyncadd.tile.s32 @!p0 $0x1;
	_ =	shalt  }
.Lfunc_end2:
_tile_overlayer_lowered:
.L_overlay_start_2:
0xff: {  	(tag) =	ssettag $0x2  }
0x100: {  	s0 =	rddreg [dreg:$0x0];
	s2 =	stileid.u32  }
0x101: {  	s1 =	rddreg [dreg:$0x1];
	p0 =	sne.s32 s2, $0x0  }
0x102: {  	s3 =	rddreg [dreg:$0x2];
	[bflag:$0x3] =	sbarrier.arrive $0xFFFF;
	s2 =	simm.s32 @!p0 $0x1C02  }
0x103: {  	[timem:s3], [sflag:s2] =	dma.local @!p0 [hbm:s0], s1  }
0x104: {  	s0 =	simm.s32 @!p0 $0x2  }
0x105: {  	_ =	swait.ge @!p0 [sflag:s0], s1  }
0x106: {  	s1 =	ssub.s32 @!p0 $0x0, s1;
	[sflag:s0] =	ssyncset.done @!p0 $0x0  }
0x107: {  	[sflag:s0] =	ssyncadd.s32 @!p0 s1  }
0x108: {  	[bflag:$0x3] =	sbarrier.arrive $0xFFFF  }
0x109: {  	_ =	shalt  }

</sc_bundles>
